<compile_context>
chip_gen: v7x
topology: tpu7x:2x2x1
jax: 0.10.2.dev20260603
libtpu: 0.0.44.dev20260713+nightly
codegen_flags: <defaults>
</compile_context>

<pallas_src>
import functools

import jax
import jax.numpy as jnp
from jax import lax
from jax.experimental import pallas as pl
from jax.experimental.pallas import tpu as pltpu
from jax.experimental.pallas import tpu_sc as plsc

N = 10000
E = 320000
D = 128

NUM_CORES = 2
NUM_SUBCORES = 16
NW = NUM_CORES * NUM_SUBCORES
EDGES_PER_W = E // NW
CHUNK = 80
NCHUNK = EDGES_PER_W // CHUNK
ACC_ROWS = 10240
TILE_STRIDE = ACC_ROWS // NUM_SUBCORES
LAST_ROWS = TILE_STRIDE


def _sc_agg(x, ei_flat):
    mesh = plsc.VectorSubcoreMesh(core_axis_name="c", subcore_axis_name="s")

    @functools.partial(
        pl.kernel,
        out_type=(
            jax.ShapeDtypeStruct((NUM_CORES, ACC_ROWS, D), jnp.float32),
            jax.ShapeDtypeStruct((NUM_CORES, ACC_ROWS), jnp.float32),
        ),
        mesh=mesh,
        scratch_types=[
            pltpu.VMEM((EDGES_PER_W,), jnp.int32),
            pltpu.VMEM((EDGES_PER_W,), jnp.int32),
            pltpu.VMEM((CHUNK, D), jnp.float32),
            pltpu.VMEM((CHUNK, D), jnp.float32),
            pltpu.VMEM((CHUNK,), jnp.float32),
            pltpu.VMEM((TILE_STRIDE,), jnp.float32),
            pltpu.VMEM_SHARED((ACC_ROWS, D), jnp.float32),
            pltpu.VMEM_SHARED((ACC_ROWS,), jnp.float32),
            pltpu.SemaphoreType.DMA,
            pltpu.SemaphoreType.DMA,
            pltpu.SemaphoreType.DMA,
            pltpu.SemaphoreType.DMA,
        ],
    )
    def k(x_hbm, ei_hbm, psum_hbm, pcnt_hbm,
          src_v, dst_v, rows0_v, rows1_v, ones_v, zcnt_v, acc_sh, cnt_sh,
          sem0, sem1, scsem0, scsem1):
        c = lax.axis_index("c")
        s = lax.axis_index("s")
        w = c * NUM_SUBCORES + s

        zeros16 = jnp.zeros((16,), jnp.float32)
        def init_zrow(i, _):
            r = i // (D // 16)
            t = i % (D // 16)
            rows0_v[r, pl.ds(t * 16, 16)] = zeros16
            return 0
        lax.fori_loop(0, CHUNK * (D // 16), init_zrow, 0)

        ones16 = jnp.ones((16,), jnp.float32)

        def init_ones(i, _):
            ones_v[pl.ds(i * 16, 16)] = ones16
            return 0
        lax.fori_loop(0, CHUNK // 16, init_ones, 0)

        def init_zcnt(i, _):
            zcnt_v[pl.ds(i * 16, 16)] = zeros16
            return 0
        lax.fori_loop(0, TILE_STRIDE // 16, init_zcnt, 0)

        base = s * TILE_STRIDE

        def zero_rows(nrows):
            for r in range(nrows // CHUNK):
                pltpu.sync_copy(rows0_v,
                                acc_sh.at[pl.ds(base + r * CHUNK, CHUNK)])
            rem = nrows % CHUNK
            if rem:
                pltpu.sync_copy(
                    rows0_v.at[pl.ds(0, rem)],
                    acc_sh.at[pl.ds(base + nrows - rem, rem)])

        zero_rows(TILE_STRIDE)
        pltpu.sync_copy(zcnt_v, cnt_sh.at[pl.ds(base, TILE_STRIDE)])

        pltpu.sync_copy(ei_hbm.at[pl.ds(w * EDGES_PER_W, EDGES_PER_W)], src_v)
        pltpu.sync_copy(ei_hbm.at[pl.ds(E + w * EDGES_PER_W, EDGES_PER_W)],
                        dst_v)

        plsc.subcore_barrier()

        def gather_start(j, buf, sem):
            idx = src_v.at[pl.ds(j * CHUNK, CHUNK)]
            pltpu.async_copy(x_hbm.at[idx], buf, sem)

        def gather_wait(j, buf, sem):
            idx = src_v.at[pl.ds(j * CHUNK, CHUNK)]
            pltpu.make_async_copy(x_hbm.at[idx], buf, sem).wait()

        def scatter_start(j, buf, sem):
            didx = dst_v.at[pl.ds(j * CHUNK, CHUNK)]
            pltpu.async_copy(buf, acc_sh.at[didx], sem, add=True)
            pltpu.async_copy(ones_v, cnt_sh.at[didx], sem, add=True)

        def scatter_wait(j, buf, sem):
            didx = dst_v.at[pl.ds(j * CHUNK, CHUNK)]
            pltpu.make_async_copy(buf, acc_sh.at[didx], sem).wait()
            pltpu.make_async_copy(ones_v, cnt_sh.at[didx], sem).wait()

        def process(j, mybuf, mysem, myscsem, otherbuf, othersem, otherscsem):
            @pl.when(j >= 1)
            def _():
                scatter_wait(j - 1, otherbuf, otherscsem)

            @pl.when(j + 1 < NCHUNK)
            def _():
                gather_start(j + 1, otherbuf, othersem)
            gather_wait(j, mybuf, mysem)
            scatter_start(j, mybuf, myscsem)

        gather_start(0, rows0_v, sem0)

        def body(j, _):
            @pl.when(j % 2 == 0)
            def _():
                process(j, rows0_v, sem0, scsem0, rows1_v, sem1, scsem1)

            @pl.when(j % 2 != 0)
            def _():
                process(j, rows1_v, sem1, scsem1, rows0_v, sem0, scsem0)
            return 0
        lax.fori_loop(0, NCHUNK, body, 0)

        scatter_wait(NCHUNK - 1, rows0_v, scsem0)

        plsc.subcore_barrier()

        pltpu.sync_copy(acc_sh.at[pl.ds(base, TILE_STRIDE)],
                        psum_hbm.at[c, pl.ds(base, TILE_STRIDE)])
        pltpu.sync_copy(cnt_sh.at[pl.ds(base, TILE_STRIDE)],
                        pcnt_hbm.at[c, pl.ds(base, TILE_STRIDE)])

    return k(x, ei_flat)


def _tc_combine(psum, pcnt, x_target, W_l, b_l, W_r):
    BLK = 2000
    grid = (N // BLK,)

    def body(ps_ref, pc_ref, xt_ref, wl_ref, b_ref, wr_ref, o_ref):
        ssum = ps_ref[0] + ps_ref[1]
        cnt = pc_ref[:, 0] + pc_ref[:, 1]
        cnt = jnp.maximum(cnt, 1.0)
        mean = ssum * (1.0 / cnt)[:, None]
        acc = jnp.dot(mean, wl_ref[...], preferred_element_type=jnp.float32)
        acc = acc + jnp.dot(xt_ref[...], wr_ref[...],
                            preferred_element_type=jnp.float32)
        o_ref[...] = acc + b_ref[...]

    return pl.pallas_call(
        body,
        grid=grid,
        in_specs=[
            pl.BlockSpec((NUM_CORES, BLK, D), lambda i: (0, i, 0)),
            pl.BlockSpec((BLK, NUM_CORES), lambda i: (i, 0)),
            pl.BlockSpec((BLK, D), lambda i: (i, 0)),
            pl.BlockSpec((D, D), lambda i: (0, 0)),
            pl.BlockSpec((1, D), lambda i: (0, 0)),
            pl.BlockSpec((D, D), lambda i: (0, 0)),
        ],
        out_specs=pl.BlockSpec((BLK, D), lambda i: (i, 0)),
        out_shape=jax.ShapeDtypeStruct((N, D), jnp.float32),
    )(psum, pcnt, x_target, W_l, b_l, W_r)


def kernel(x, edge_index, num_dst, W_l, b_l, W_r):
    del num_dst
    ei_flat = edge_index.reshape(2 * E)
    psum, pcnt = _sc_agg(x, ei_flat)
    b2 = b_l.reshape(1, D)
    return _tc_combine(psum, pcnt.T, x, W_l, b2, W_r)

# --- scband reference (transcript-rebuilt; emitter-appended) ---
"""Pipeline reference for scband-graph-sage-17978733101559 (READ-ONLY COPY).

The authoritative reference and input builder live on the scoring server;
editing this copy changes nothing except your own understanding.
"""

import jax, jax.numpy as jnp
import numpy as np

N = 10000
E = 320000
D = 128

def setup_inputs(seed: int = 0) -> dict:
    key = jax.random.key(seed)
    k1, k2, k3, k4 = jax.random.split(key, 4)
    x = jax.random.normal(k1, (N, D), dtype=jnp.float32)
    edge_index = jax.random.randint(k2, (2, E), 0, N, dtype=jnp.int32)
    scale = 1.0 / np.sqrt(D)
    W_l = jax.random.normal(k3, (D, D), dtype=jnp.float32) * scale
    b_l = jnp.zeros((D,), dtype=jnp.float32)
    W_r = jax.random.normal(k4, (D, D), dtype=jnp.float32) * scale
    return {"x": x, "edge_index": edge_index, "num_dst": N, "W_l": W_l, "b_l": b_l, "W_r": W_r}

def reference(x, edge_index, num_dst, W_l, b_l, W_r):
    # Single-layer GraphSAGE (hidden_channels=[]): one SAGEConv on bipartite (x, x_target).
    # adjs = [(edge_index, None, (N_src, num_dst))]; num_layers == 1 so no relu/dropout.
    src = edge_index[0]
    dst = edge_index[1]
    num_dst_static = x.shape[0]
    x_target = jax.lax.dynamic_slice_in_dim(x, num_dst - num_dst_static, num_dst_static, axis=0)
    # SAGEConv with mean aggregation: out = lin_l(mean_j x_src[j]) + lin_r(x_target)
    msgs = jnp.take(x, src, axis=0)
    summed = jax.ops.segment_sum(msgs, dst, num_segments=num_dst_static)
    cnt = jax.ops.segment_sum(jnp.ones((msgs.shape[0],), dtype=jnp.float32), dst, num_segments=num_dst_static)
    cnt = jnp.clip(cnt, 1.0, None)
    mean = summed / cnt[:, None]
    out = mean @ W_l + b_l + x_target @ W_r
    return out

if __name__ == "__main__":
    import jax
    _d = setup_inputs()
    print(jax.jit(kernel)(*tuple(_d.values())))

</pallas_src>

<mosaic_0001>
#map = affine_map<(d0, d1) -> (0, 0)>
#map1 = affine_map<(d0, d1) -> (0)>
#map2 = affine_map<(d0, d1) -> (0, 0, 0)>
module attributes {stable_mosaic.version = 14 : i64} {
  func.func @k(%arg0: i32, %arg1: i32, %arg2: memref<10000x128xf32, #tpu.memory_space<hbm>>, %arg3: memref<640000xi32, #tpu.memory_space<hbm>>, %arg4: memref<2x10240x128xf32, #tpu.memory_space<hbm>>, %arg5: memref<2x10240xf32, #tpu.memory_space<hbm>>, %arg6: memref<10000xi32, #tpu.memory_space<vmem>>, %arg7: memref<10000xi32, #tpu.memory_space<vmem>>, %arg8: memref<80x128xf32, #tpu.memory_space<vmem>>, %arg9: memref<80x128xf32, #tpu.memory_space<vmem>>, %arg10: memref<80xf32, #tpu.memory_space<vmem>>, %arg11: memref<640xf32, #tpu.memory_space<vmem>>, %arg12: memref<10240x128xf32, #tpu.memory_space<vmem_shared>>, %arg13: memref<10240xf32, #tpu.memory_space<vmem_shared>>, %arg14: memref<!tpu.dma_semaphore, #tpu.memory_space<semaphore_mem>>, %arg15: memref<!tpu.dma_semaphore, #tpu.memory_space<semaphore_mem>>, %arg16: memref<!tpu.dma_semaphore, #tpu.memory_space<semaphore_mem>>, %arg17: memref<!tpu.dma_semaphore, #tpu.memory_space<semaphore_mem>>) attributes {dimension_semantics = [#tpu.dimension_semantics<core_parallel>, #tpu.dimension_semantics<subcore_parallel>], iteration_bounds = array<i64: 2, 16>, scalar_prefetch = 0 : i64, scratch_operands = 12 : i64, tpu.core_type = #tpu.core_type<sc_vector_subcore>, window_params = [{transform_indices = #map}, {transform_indices = #map1}, {transform_indices = #map2}, {transform_indices = #map}]} {
    %mul3A = arith.constant 16 : i32
    %mul3A_0 = arith.muli %arg0, %mul3A : i32
    %add3A = arith.addi %mul3A_0, %arg1 : i32
    %broadcast_in_dim3A = arith.constant 0.000000e+00 : f32
    %broadcast_in_dim3A_1 = vector.broadcast %broadcast_in_dim3A : f32 to vector<16xf32>
    %scan3A = arith.constant 0 : i32
    %scan3A_2 = arith.constant 0 : i32
    %scan3A_3 = arith.constant 640 : i32
    %scan3A_4 = arith.addi %scan3A_2, %scan3A_3 : i32
    %scan3A_5 = arith.constant 1 : i32
    %scan3A_6 = scf.for %scan3A_68 = %scan3A_2 to %scan3A_4 step %scan3A_5 iter_args(%scan3A_69 = %scan3A) -> (i32)  : i32 {
      %jit3A = arith.constant 8 : i32
      %div3A = arith.divsi %scan3A_68, %jit3A : i32
      %sign3A = arith.constant 0 : i32
      %sign3A_70 = arith.cmpi sgt, %scan3A_68, %sign3A : i32
      %sign3A_71 = arith.extui %sign3A_70 : i1 to i32
      %sign3A_72 = arith.constant 0 : i32
      %sign3A_73 = arith.cmpi slt, %scan3A_68, %sign3A_72 : i32
      %sign3A_74 = arith.extui %sign3A_73 : i1 to i32
      %sign3A_75 = arith.subi %sign3A_71, %sign3A_74 : i32
      %sign3A_76 = arith.constant 0 : i32
      %sign3A_77 = arith.cmpi sgt, %jit3A, %sign3A_76 : i32
      %sign3A_78 = arith.extui %sign3A_77 : i1 to i32
      %sign3A_79 = arith.constant 0 : i32
      %sign3A_80 = arith.cmpi slt, %jit3A, %sign3A_79 : i32
      %sign3A_81 = arith.extui %sign3A_80 : i1 to i32
      %sign3A_82 = arith.subi %sign3A_78, %sign3A_81 : i32
      %ne3A = arith.cmpi ne, %sign3A_75, %sign3A_82 : i32
      %rem3A = arith.remsi %scan3A_68, %jit3A : i32
      %ne3A_83 = arith.constant 0 : i32
      %ne3A_84 = arith.cmpi ne, %rem3A, %ne3A_83 : i32
      %and3A = arith.andi %ne3A, %ne3A_84 : i1
      %sub3A = arith.constant 1 : i32
      %sub3A_85 = arith.subi %div3A, %sub3A : i32
      %select_n3A = arith.select %and3A, %sub3A_85, %div3A : i32
      %jit3A_86 = arith.constant 8 : i32
      %eq3A = arith.constant 0 : i32
      %eq3A_87 = arith.cmpi eq, %jit3A_86, %eq3A : i32
      %jit3A_88 = arith.constant 1 : i32
      %select_n3A_89 = arith.select %eq3A_87, %jit3A_88, %jit3A_86 : i32
      %rem3A_90 = arith.remsi %scan3A_68, %select_n3A_89 : i32
      %ne3A_91 = arith.constant 0 : i32
      %ne3A_92 = arith.cmpi ne, %rem3A_90, %ne3A_91 : i32
      %lt3A = arith.constant 0 : i32
      %lt3A_93 = arith.cmpi slt, %rem3A_90, %lt3A : i32
      %lt3A_94 = arith.constant 0 : i32
      %lt3A_95 = arith.cmpi slt, %select_n3A_89, %lt3A_94 : i32
      %ne3A_96 = arith.xori %lt3A_93, %lt3A_95 : i1
      %and3A_97 = arith.andi %ne3A_96, %ne3A_92 : i1
      %add3A_98 = arith.addi %rem3A_90, %select_n3A_89 : i32
      %select_n3A_99 = arith.select %and3A_97, %add3A_98, %rem3A_90 : i32
      %mul3A_100 = arith.constant 16 : i32
      %mul3A_101 = arith.muli %select_n3A_99, %mul3A_100 : i32
      %swap3A = arith.index_cast %select_n3A : i32 to index
      %swap3A_102 = arith.index_cast %mul3A_101 : i32 to index
      %swap3A_103 = tpu.vector_load %arg8[%swap3A, %swap3A_102] {strides = array<i32>} : memref<80x128xf32, #tpu.memory_space<vmem>>, vector<1x16xf32>,
      %swap3A_104 = vector.shape_cast %swap3A_103 : vector<1x16xf32> to vector<16xf32>
      %swap3A_105 = vector.shape_cast %broadcast_in_dim3A_1 : vector<16xf32> to vector<1x16xf32>
      tpu.vector_store %arg8[%swap3A, %swap3A_102], %swap3A_105 {strides = array<i32>} : memref<80x128xf32, #tpu.memory_space<vmem>>, vector<1x16xf32>,
      %scan3A_106 = arith.constant 0 : i32
      scf.yield %scan3A_106 : i32
    }
    %scan3A_7 = arith.constant 640 : i32
    %broadcast_in_dim3A_8 = arith.constant 1.000000e+00 : f32
    %broadcast_in_dim3A_9 = vector.broadcast %broadcast_in_dim3A_8 : f32 to vector<16xf32>
    %scan3A_10 = arith.constant 0 : i32
    %scan3A_11 = arith.constant 0 : i32
    %scan3A_12 = arith.constant 5 : i32
    %scan3A_13 = arith.addi %scan3A_11, %scan3A_12 : i32
    %scan3A_14 = arith.constant 1 : i32
    %scan3A_15 = scf.for %scan3A_68 = %scan3A_11 to %scan3A_13 step %scan3A_14 iter_args(%scan3A_69 = %scan3A_10) -> (i32)  : i32 {
      %mul3A_70 = arith.constant 16 : i32
      %mul3A_71 = arith.muli %scan3A_68, %mul3A_70 : i32
      %swap3A = arith.index_cast %mul3A_71 : i32 to index
      %swap3A_72 = tpu.vector_load %arg10[%swap3A] {strides = array<i32>} : memref<80xf32, #tpu.memory_space<vmem>>, vector<16xf32>,
      %swap3A_73 = vector.shape_cast %swap3A_72 : vector<16xf32> to vector<16xf32>
      %swap3A_74 = vector.shape_cast %broadcast_in_dim3A_9 : vector<16xf32> to vector<16xf32>
      tpu.vector_store %arg10[%swap3A], %swap3A_74 {strides = array<i32>} : memref<80xf32, #tpu.memory_space<vmem>>, vector<16xf32>,
      %scan3A_75 = arith.constant 0 : i32
      scf.yield %scan3A_75 : i32
    }
    %scan3A_16 = arith.constant 5 : i32
    %scan3A_17 = arith.constant 0 : i32
    %scan3A_18 = arith.constant 0 : i32
    %scan3A_19 = arith.constant 40 : i32
    %scan3A_20 = arith.addi %scan3A_18, %scan3A_19 : i32
    %scan3A_21 = arith.constant 1 : i32
    %scan3A_22 = scf.for %scan3A_68 = %scan3A_18 to %scan3A_20 step %scan3A_21 iter_args(%scan3A_69 = %scan3A_17) -> (i32)  : i32 {
      %mul3A_70 = arith.constant 16 : i32
      %mul3A_71 = arith.muli %scan3A_68, %mul3A_70 : i32
      %swap3A = arith.index_cast %mul3A_71 : i32 to index
      %swap3A_72 = tpu.vector_load %arg11[%swap3A] {strides = array<i32>} : memref<640xf32, #tpu.memory_space<vmem>>, vector<16xf32>,
      %swap3A_73 = vector.shape_cast %swap3A_72 : vector<16xf32> to vector<16xf32>
      %swap3A_74 = vector.shape_cast %broadcast_in_dim3A_1 : vector<16xf32> to vector<16xf32>
      tpu.vector_store %arg11[%swap3A], %swap3A_74 {strides = array<i32>} : memref<640xf32, #tpu.memory_space<vmem>>, vector<16xf32>,
      %scan3A_75 = arith.constant 0 : i32
      scf.yield %scan3A_75 : i32
    }
    %scan3A_23 = arith.constant 40 : i32
    %mul3A_24 = arith.constant 640 : i32
    %mul3A_25 = arith.muli %arg1, %mul3A_24 : i32
    %add3A_26 = arith.constant 0 : i32
    %add3A_27 = arith.addi %mul3A_25, %add3A_26 : i32
    "tpu.region"() ({
      %run_scoped3A = tpu.sem_alloc : memref<!tpu.dma_semaphore, #tpu.memory_space<semaphore_mem>>
      %dma_start3A_68 = arith.constant 0 : i32
      %dma_start3A_69 = tpu.memref_slice %arg12[%add3A_27, %dma_start3A_68] : memref<10240x128xf32, #tpu.memory_space<vmem_shared>> -> memref<80x128xf32, #tpu.memory_space<vmem_shared>>
      %dma_start3A_70 = arith.constant 0 : i32
      %dma_start3A_71 = tpu.memref_slice %arg12[%add3A_27, %dma_start3A_70] : memref<10240x128xf32, #tpu.memory_space<vmem_shared>> -> memref<80x128xf32, #tpu.memory_space<vmem_shared>>
      tpu.enqueue_dma source(%arg8 : memref<80x128xf32, #tpu.memory_space<vmem>>) target(%dma_start3A_71 : memref<80x128xf32, #tpu.memory_space<vmem_shared>>) target_semaphore(%run_scoped3A : memref<!tpu.dma_semaphore, #tpu.memory_space<semaphore_mem>>)
      %dma_wait3A_72 = arith.constant 0 : i32
      %dma_wait3A_73 = tpu.memref_slice %arg12[%add3A_27, %dma_wait3A_72] : memref<10240x128xf32, #tpu.memory_space<vmem_shared>> -> memref<80x128xf32, #tpu.memory_space<vmem_shared>>
      %dma_wait3A_74 = arith.constant 0 : i32
      %dma_wait3A_75 = tpu.memref_slice %arg12[%add3A_27, %dma_wait3A_74] : memref<10240x128xf32, #tpu.memory_space<vmem_shared>> -> memref<80x128xf32, #tpu.memory_space<vmem_shared>>
      tpu.wait_dma2 semaphore(%run_scoped3A : memref<!tpu.dma_semaphore, #tpu.memory_space<semaphore_mem>>) src(%arg8 : memref<80x128xf32, #tpu.memory_space<vmem>>) dst(%dma_wait3A_75 : memref<80x128xf32, #tpu.memory_space<vmem_shared>>)
      tpu.yield
    }) : () -> ()
    %add3A_28 = arith.constant 80 : i32
    %add3A_29 = arith.addi %mul3A_25, %add3A_28 : i32
    "tpu.region"() ({
      %run_scoped3A = tpu.sem_alloc : memref<!tpu.dma_semaphore, #tpu.memory_space<semaphore_mem>>
      %dma_start3A_68 = arith.constant 0 : i32
      %dma_start3A_69 = tpu.memref_slice %arg12[%add3A_29, %dma_start3A_68] : memref<10240x128xf32, #tpu.memory_space<vmem_shared>> -> memref<80x128xf32, #tpu.memory_space<vmem_shared>>
      %dma_start3A_70 = arith.constant 0 : i32
      %dma_start3A_71 = tpu.memref_slice %arg12[%add3A_29, %dma_start3A_70] : memref<10240x128xf32, #tpu.memory_space<vmem_shared>> -> memref<80x128xf32, #tpu.memory_space<vmem_shared>>
      tpu.enqueue_dma source(%arg8 : memref<80x128xf32, #tpu.memory_space<vmem>>) target(%dma_start3A_71 : memref<80x128xf32, #tpu.memory_space<vmem_shared>>) target_semaphore(%run_scoped3A : memref<!tpu.dma_semaphore, #tpu.memory_space<semaphore_mem>>)
      %dma_wait3A_72 = arith.constant 0 : i32
      %dma_wait3A_73 = tpu.memref_slice %arg12[%add3A_29, %dma_wait3A_72] : memref<10240x128xf32, #tpu.memory_space<vmem_shared>> -> memref<80x128xf32, #tpu.memory_space<vmem_shared>>
      %dma_wait3A_74 = arith.constant 0 : i32
      %dma_wait3A_75 = tpu.memref_slice %arg12[%add3A_29, %dma_wait3A_74] : memref<10240x128xf32, #tpu.memory_space<vmem_shared>> -> memref<80x128xf32, #tpu.memory_space<vmem_shared>>
      tpu.wait_dma2 semaphore(%run_scoped3A : memref<!tpu.dma_semaphore, #tpu.memory_space<semaphore_mem>>) src(%arg8 : memref<80x128xf32, #tpu.memory_space<vmem>>) dst(%dma_wait3A_75 : memref<80x128xf32, #tpu.memory_space<vmem_shared>>)
      tpu.yield
    }) : () -> ()
    %add3A_30 = arith.constant 160 : i32
    %add3A_31 = arith.addi %mul3A_25, %add3A_30 : i32
    "tpu.region"() ({
      %run_scoped3A = tpu.sem_alloc : memref<!tpu.dma_semaphore, #tpu.memory_space<semaphore_mem>>
      %dma_start3A_68 = arith.constant 0 : i32
      %dma_start3A_69 = tpu.memref_slice %arg12[%add3A_31, %dma_start3A_68] : memref<10240x128xf32, #tpu.memory_space<vmem_shared>> -> memref<80x128xf32, #tpu.memory_space<vmem_shared>>
      %dma_start3A_70 = arith.constant 0 : i32
      %dma_start3A_71 = tpu.memref_slice %arg12[%add3A_31, %dma_start3A_70] : memref<10240x128xf32, #tpu.memory_space<vmem_shared>> -> memref<80x128xf32, #tpu.memory_space<vmem_shared>>
      tpu.enqueue_dma source(%arg8 : memref<80x128xf32, #tpu.memory_space<vmem>>) target(%dma_start3A_71 : memref<80x128xf32, #tpu.memory_space<vmem_shared>>) target_semaphore(%run_scoped3A : memref<!tpu.dma_semaphore, #tpu.memory_space<semaphore_mem>>)
      %dma_wait3A_72 = arith.constant 0 : i32
      %dma_wait3A_73 = tpu.memref_slice %arg12[%add3A_31, %dma_wait3A_72] : memref<10240x128xf32, #tpu.memory_space<vmem_shared>> -> memref<80x128xf32, #tpu.memory_space<vmem_shared>>
      %dma_wait3A_74 = arith.constant 0 : i32
      %dma_wait3A_75 = tpu.memref_slice %arg12[%add3A_31, %dma_wait3A_74] : memref<10240x128xf32, #tpu.memory_space<vmem_shared>> -> memref<80x128xf32, #tpu.memory_space<vmem_shared>>
      tpu.wait_dma2 semaphore(%run_scoped3A : memref<!tpu.dma_semaphore, #tpu.memory_space<semaphore_mem>>) src(%arg8 : memref<80x128xf32, #tpu.memory_space<vmem>>) dst(%dma_wait3A_75 : memref<80x128xf32, #tpu.memory_space<vmem_shared>>)
      tpu.yield
    }) : () -> ()
    %add3A_32 = arith.constant 240 : i32
    %add3A_33 = arith.addi %mul3A_25, %add3A_32 : i32
    "tpu.region"() ({
      %run_scoped3A = tpu.sem_alloc : memref<!tpu.dma_semaphore, #tpu.memory_space<semaphore_mem>>
      %dma_start3A_68 = arith.constant 0 : i32
      %dma_start3A_69 = tpu.memref_slice %arg12[%add3A_33, %dma_start3A_68] : memref<10240x128xf32, #tpu.memory_space<vmem_shared>> -> memref<80x128xf32, #tpu.memory_space<vmem_shared>>
      %dma_start3A_70 = arith.constant 0 : i32
      %dma_start3A_71 = tpu.memref_slice %arg12[%add3A_33, %dma_start3A_70] : memref<10240x128xf32, #tpu.memory_space<vmem_shared>> -> memref<80x128xf32, #tpu.memory_space<vmem_shared>>
      tpu.enqueue_dma source(%arg8 : memref<80x128xf32, #tpu.memory_space<vmem>>) target(%dma_start3A_71 : memref<80x128xf32, #tpu.memory_space<vmem_shared>>) target_semaphore(%run_scoped3A : memref<!tpu.dma_semaphore, #tpu.memory_space<semaphore_mem>>)
      %dma_wait3A_72 = arith.constant 0 : i32
      %dma_wait3A_73 = tpu.memref_slice %arg12[%add3A_33, %dma_wait3A_72] : memref<10240x128xf32, #tpu.memory_space<vmem_shared>> -> memref<80x128xf32, #tpu.memory_space<vmem_shared>>
      %dma_wait3A_74 = arith.constant 0 : i32
      %dma_wait3A_75 = tpu.memref_slice %arg12[%add3A_33, %dma_wait3A_74] : memref<10240x128xf32, #tpu.memory_space<vmem_shared>> -> memref<80x128xf32, #tpu.memory_space<vmem_shared>>
      tpu.wait_dma2 semaphore(%run_scoped3A : memref<!tpu.dma_semaphore, #tpu.memory_space<semaphore_mem>>) src(%arg8 : memref<80x128xf32, #tpu.memory_space<vmem>>) dst(%dma_wait3A_75 : memref<80x128xf32, #tpu.memory_space<vmem_shared>>)
      tpu.yield
    }) : () -> ()
    %add3A_34 = arith.constant 320 : i32
    %add3A_35 = arith.addi %mul3A_25, %add3A_34 : i32
    "tpu.region"() ({
      %run_scoped3A = tpu.sem_alloc : memref<!tpu.dma_semaphore, #tpu.memory_space<semaphore_mem>>
      %dma_start3A_68 = arith.constant 0 : i32
      %dma_start3A_69 = tpu.memref_slice %arg12[%add3A_35, %dma_start3A_68] : memref<10240x128xf32, #tpu.memory_space<vmem_shared>> -> memref<80x128xf32, #tpu.memory_space<vmem_shared>>
      %dma_start3A_70 = arith.constant 0 : i32
      %dma_start3A_71 = tpu.memref_slice %arg12[%add3A_35, %dma_start3A_70] : memref<10240x128xf32, #tpu.memory_space<vmem_shared>> -> memref<80x128xf32, #tpu.memory_space<vmem_shared>>
      tpu.enqueue_dma source(%arg8 : memref<80x128xf32, #tpu.memory_space<vmem>>) target(%dma_start3A_71 : memref<80x128xf32, #tpu.memory_space<vmem_shared>>) target_semaphore(%run_scoped3A : memref<!tpu.dma_semaphore, #tpu.memory_space<semaphore_mem>>)
      %dma_wait3A_72 = arith.constant 0 : i32
      %dma_wait3A_73 = tpu.memref_slice %arg12[%add3A_35, %dma_wait3A_72] : memref<10240x128xf32, #tpu.memory_space<vmem_shared>> -> memref<80x128xf32, #tpu.memory_space<vmem_shared>>
      %dma_wait3A_74 = arith.constant 0 : i32
      %dma_wait3A_75 = tpu.memref_slice %arg12[%add3A_35, %dma_wait3A_74] : memref<10240x128xf32, #tpu.memory_space<vmem_shared>> -> memref<80x128xf32, #tpu.memory_space<vmem_shared>>
      tpu.wait_dma2 semaphore(%run_scoped3A : memref<!tpu.dma_semaphore, #tpu.memory_space<semaphore_mem>>) src(%arg8 : memref<80x128xf32, #tpu.memory_space<vmem>>) dst(%dma_wait3A_75 : memref<80x128xf32, #tpu.memory_space<vmem_shared>>)
      tpu.yield
    }) : () -> ()
    %add3A_36 = arith.constant 400 : i32
    %add3A_37 = arith.addi %mul3A_25, %add3A_36 : i32
    "tpu.region"() ({
      %run_scoped3A = tpu.sem_alloc : memref<!tpu.dma_semaphore, #tpu.memory_space<semaphore_mem>>
      %dma_start3A_68 = arith.constant 0 : i32
      %dma_start3A_69 = tpu.memref_slice %arg12[%add3A_37, %dma_start3A_68] : memref<10240x128xf32, #tpu.memory_space<vmem_shared>> -> memref<80x128xf32, #tpu.memory_space<vmem_shared>>
      %dma_start3A_70 = arith.constant 0 : i32
      %dma_start3A_71 = tpu.memref_slice %arg12[%add3A_37, %dma_start3A_70] : memref<10240x128xf32, #tpu.memory_space<vmem_shared>> -> memref<80x128xf32, #tpu.memory_space<vmem_shared>>
      tpu.enqueue_dma source(%arg8 : memref<80x128xf32, #tpu.memory_space<vmem>>) target(%dma_start3A_71 : memref<80x128xf32, #tpu.memory_space<vmem_shared>>) target_semaphore(%run_scoped3A : memref<!tpu.dma_semaphore, #tpu.memory_space<semaphore_mem>>)
      %dma_wait3A_72 = arith.constant 0 : i32
      %dma_wait3A_73 = tpu.memref_slice %arg12[%add3A_37, %dma_wait3A_72] : memref<10240x128xf32, #tpu.memory_space<vmem_shared>> -> memref<80x128xf32, #tpu.memory_space<vmem_shared>>
      %dma_wait3A_74 = arith.constant 0 : i32
      %dma_wait3A_75 = tpu.memref_slice %arg12[%add3A_37, %dma_wait3A_74] : memref<10240x128xf32, #tpu.memory_space<vmem_shared>> -> memref<80x128xf32, #tpu.memory_space<vmem_shared>>
      tpu.wait_dma2 semaphore(%run_scoped3A : memref<!tpu.dma_semaphore, #tpu.memory_space<semaphore_mem>>) src(%arg8 : memref<80x128xf32, #tpu.memory_space<vmem>>) dst(%dma_wait3A_75 : memref<80x128xf32, #tpu.memory_space<vmem_shared>>)
      tpu.yield
    }) : () -> ()
    %add3A_38 = arith.constant 480 : i32
    %add3A_39 = arith.addi %mul3A_25, %add3A_38 : i32
    "tpu.region"() ({
      %run_scoped3A = tpu.sem_alloc : memref<!tpu.dma_semaphore, #tpu.memory_space<semaphore_mem>>
      %dma_start3A_68 = arith.constant 0 : i32
      %dma_start3A_69 = tpu.memref_slice %arg12[%add3A_39, %dma_start3A_68] : memref<10240x128xf32, #tpu.memory_space<vmem_shared>> -> memref<80x128xf32, #tpu.memory_space<vmem_shared>>
      %dma_start3A_70 = arith.constant 0 : i32
      %dma_start3A_71 = tpu.memref_slice %arg12[%add3A_39, %dma_start3A_70] : memref<10240x128xf32, #tpu.memory_space<vmem_shared>> -> memref<80x128xf32, #tpu.memory_space<vmem_shared>>
      tpu.enqueue_dma source(%arg8 : memref<80x128xf32, #tpu.memory_space<vmem>>) target(%dma_start3A_71 : memref<80x128xf32, #tpu.memory_space<vmem_shared>>) target_semaphore(%run_scoped3A : memref<!tpu.dma_semaphore, #tpu.memory_space<semaphore_mem>>)
      %dma_wait3A_72 = arith.constant 0 : i32
      %dma_wait3A_73 = tpu.memref_slice %arg12[%add3A_39, %dma_wait3A_72] : memref<10240x128xf32, #tpu.memory_space<vmem_shared>> -> memref<80x128xf32, #tpu.memory_space<vmem_shared>>
      %dma_wait3A_74 = arith.constant 0 : i32
      %dma_wait3A_75 = tpu.memref_slice %arg12[%add3A_39, %dma_wait3A_74] : memref<10240x128xf32, #tpu.memory_space<vmem_shared>> -> memref<80x128xf32, #tpu.memory_space<vmem_shared>>
      tpu.wait_dma2 semaphore(%run_scoped3A : memref<!tpu.dma_semaphore, #tpu.memory_space<semaphore_mem>>) src(%arg8 : memref<80x128xf32, #tpu.memory_space<vmem>>) dst(%dma_wait3A_75 : memref<80x128xf32, #tpu.memory_space<vmem_shared>>)
      tpu.yield
    }) : () -> ()
    %add3A_40 = arith.constant 560 : i32
    %add3A_41 = arith.addi %mul3A_25, %add3A_40 : i32
    "tpu.region"() ({
      %run_scoped3A = tpu.sem_alloc : memref<!tpu.dma_semaphore, #tpu.memory_space<semaphore_mem>>
      %dma_start3A_68 = arith.constant 0 : i32
      %dma_start3A_69 = tpu.memref_slice %arg12[%add3A_41, %dma_start3A_68] : memref<10240x128xf32, #tpu.memory_space<vmem_shared>> -> memref<80x128xf32, #tpu.memory_space<vmem_shared>>
      %dma_start3A_70 = arith.constant 0 : i32
      %dma_start3A_71 = tpu.memref_slice %arg12[%add3A_41, %dma_start3A_70] : memref<10240x128xf32, #tpu.memory_space<vmem_shared>> -> memref<80x128xf32, #tpu.memory_space<vmem_shared>>
      tpu.enqueue_dma source(%arg8 : memref<80x128xf32, #tpu.memory_space<vmem>>) target(%dma_start3A_71 : memref<80x128xf32, #tpu.memory_space<vmem_shared>>) target_semaphore(%run_scoped3A : memref<!tpu.dma_semaphore, #tpu.memory_space<semaphore_mem>>)
      %dma_wait3A_72 = arith.constant 0 : i32
      %dma_wait3A_73 = tpu.memref_slice %arg12[%add3A_41, %dma_wait3A_72] : memref<10240x128xf32, #tpu.memory_space<vmem_shared>> -> memref<80x128xf32, #tpu.memory_space<vmem_shared>>
      %dma_wait3A_74 = arith.constant 0 : i32
      %dma_wait3A_75 = tpu.memref_slice %arg12[%add3A_41, %dma_wait3A_74] : memref<10240x128xf32, #tpu.memory_space<vmem_shared>> -> memref<80x128xf32, #tpu.memory_space<vmem_shared>>
      tpu.wait_dma2 semaphore(%run_scoped3A : memref<!tpu.dma_semaphore, #tpu.memory_space<semaphore_mem>>) src(%arg8 : memref<80x128xf32, #tpu.memory_space<vmem>>) dst(%dma_wait3A_75 : memref<80x128xf32, #tpu.memory_space<vmem_shared>>)
      tpu.yield
    }) : () -> ()
    "tpu.region"() ({
      %run_scoped3A = tpu.sem_alloc : memref<!tpu.dma_semaphore, #tpu.memory_space<semaphore_mem>>
      %dma_start3A_68 = tpu.memref_slice %arg13[%mul3A_25] : memref<10240xf32, #tpu.memory_space<vmem_shared>> -> memref<640xf32, #tpu.memory_space<vmem_shared>>
      %dma_start3A_69 = tpu.memref_slice %arg13[%mul3A_25] : memref<10240xf32, #tpu.memory_space<vmem_shared>> -> memref<640xf32, #tpu.memory_space<vmem_shared>>
      tpu.enqueue_dma source(%arg11 : memref<640xf32, #tpu.memory_space<vmem>>) target(%dma_start3A_69 : memref<640xf32, #tpu.memory_space<vmem_shared>>) target_semaphore(%run_scoped3A : memref<!tpu.dma_semaphore, #tpu.memory_space<semaphore_mem>>)
      %dma_wait3A_70 = tpu.memref_slice %arg13[%mul3A_25] : memref<10240xf32, #tpu.memory_space<vmem_shared>> -> memref<640xf32, #tpu.memory_space<vmem_shared>>
      %dma_wait3A_71 = tpu.memref_slice %arg13[%mul3A_25] : memref<10240xf32, #tpu.memory_space<vmem_shared>> -> memref<640xf32, #tpu.memory_space<vmem_shared>>
      tpu.wait_dma2 semaphore(%run_scoped3A : memref<!tpu.dma_semaphore, #tpu.memory_space<semaphore_mem>>) src(%arg11 : memref<640xf32, #tpu.memory_space<vmem>>) dst(%dma_wait3A_71 : memref<640xf32, #tpu.memory_space<vmem_shared>>)
      tpu.yield
    }) : () -> ()
    %mul3A_42 = arith.constant 10000 : i32
    %mul3A_43 = arith.muli %add3A, %mul3A_42 : i32
    "tpu.region"() ({
      %run_scoped3A = tpu.sem_alloc : memref<!tpu.dma_semaphore, #tpu.memory_space<semaphore_mem>>
      %dma_start3A_68 = tpu.memref_slice %arg3[%mul3A_43] : memref<640000xi32, #tpu.memory_space<hbm>> -> memref<10000xi32, #tpu.memory_space<hbm>>
      %dma_start3A_69 = tpu.memref_slice %arg3[%mul3A_43] : memref<640000xi32, #tpu.memory_space<hbm>> -> memref<10000xi32, #tpu.memory_space<hbm>>
      tpu.enqueue_dma source(%dma_start3A_69 : memref<10000xi32, #tpu.memory_space<hbm>>) target(%arg6 : memref<10000xi32, #tpu.memory_space<vmem>>) target_semaphore(%run_scoped3A : memref<!tpu.dma_semaphore, #tpu.memory_space<semaphore_mem>>)
      %dma_wait3A_70 = tpu.memref_slice %arg3[%mul3A_43] : memref<640000xi32, #tpu.memory_space<hbm>> -> memref<10000xi32, #tpu.memory_space<hbm>>
      %dma_wait3A_71 = tpu.memref_slice %arg3[%mul3A_43] : memref<640000xi32, #tpu.memory_space<hbm>> -> memref<10000xi32, #tpu.memory_space<hbm>>
      tpu.wait_dma2 semaphore(%run_scoped3A : memref<!tpu.dma_semaphore, #tpu.memory_space<semaphore_mem>>) src(%dma_wait3A_71 : memref<10000xi32, #tpu.memory_space<hbm>>) dst(%arg6 : memref<10000xi32, #tpu.memory_space<vmem>>)
      tpu.yield
    }) : () -> ()
    %mul3A_44 = arith.constant 10000 : i32
    %mul3A_45 = arith.muli %add3A, %mul3A_44 : i32
    %add3A_46 = arith.constant 320000 : i32
    %add3A_47 = arith.addi %add3A_46, %mul3A_45 : i32
    "tpu.region"() ({
      %run_scoped3A = tpu.sem_alloc : memref<!tpu.dma_semaphore, #tpu.memory_space<semaphore_mem>>
      %dma_start3A_68 = tpu.memref_slice %arg3[%add3A_47] : memref<640000xi32, #tpu.memory_space<hbm>> -> memref<10000xi32, #tpu.memory_space<hbm>>
      %dma_start3A_69 = tpu.memref_slice %arg3[%add3A_47] : memref<640000xi32, #tpu.memory_space<hbm>> -> memref<10000xi32, #tpu.memory_space<hbm>>
      tpu.enqueue_dma source(%dma_start3A_69 : memref<10000xi32, #tpu.memory_space<hbm>>) target(%arg7 : memref<10000xi32, #tpu.memory_space<vmem>>) target_semaphore(%run_scoped3A : memref<!tpu.dma_semaphore, #tpu.memory_space<semaphore_mem>>)
      %dma_wait3A_70 = tpu.memref_slice %arg3[%add3A_47] : memref<640000xi32, #tpu.memory_space<hbm>> -> memref<10000xi32, #tpu.memory_space<hbm>>
      %dma_wait3A_71 = tpu.memref_slice %arg3[%add3A_47] : memref<640000xi32, #tpu.memory_space<hbm>> -> memref<10000xi32, #tpu.memory_space<hbm>>
      tpu.wait_dma2 semaphore(%run_scoped3A : memref<!tpu.dma_semaphore, #tpu.memory_space<semaphore_mem>>) src(%dma_wait3A_71 : memref<10000xi32, #tpu.memory_space<hbm>>) dst(%arg7 : memref<10000xi32, #tpu.memory_space<vmem>>)
      tpu.yield
    }) : () -> ()
    %barrier3A = arith.constant 0 : index
    tpu.barrier barrier_id(%barrier3A)
    %dma_start3A = arith.constant 0 : i32
    %dma_start3A_48 = tpu.memref_slice %arg6[%dma_start3A] : memref<10000xi32, #tpu.memory_space<vmem>> -> memref<80xi32, #tpu.memory_space<vmem>>
    %dma_start3A_49 = arith.constant 0 : i32
    %dma_start3A_50 = arith.constant 0 : i32
    %dma_start3A_51 = tpu.memref_slice %arg2[%dma_start3A_49, %dma_start3A_50] : memref<10000x128xf32, #tpu.memory_space<hbm>> -> memref<10000x128xf32, #tpu.memory_space<hbm>>
    tpu.enqueue_indirect_dma source(%dma_start3A_51 : memref<10000x128xf32, #tpu.memory_space<hbm>>) target(%arg8 : memref<80x128xf32, #tpu.memory_space<vmem>>) offsets(%dma_start3A_48 : memref<80xi32, #tpu.memory_space<vmem>>) semaphore(%arg14 : memref<!tpu.dma_semaphore, #tpu.memory_space<semaphore_mem>>)
    %scan3A_52 = arith.constant 0 : i32
    %scan3A_53 = arith.constant 0 : i32
    %scan3A_54 = arith.constant 125 : i32
    %scan3A_55 = arith.addi %scan3A_53, %scan3A_54 : i32
    %scan3A_56 = arith.constant 1 : i32
    %scan3A_57 = scf.for %scan3A_68 = %scan3A_53 to %scan3A_55 step %scan3A_56 iter_args(%scan3A_69 = %scan3A_52) -> (i32)  : i32 {
      %jit3A = arith.constant 2 : i32
      %eq3A = arith.constant 0 : i32
      %eq3A_70 = arith.cmpi eq, %jit3A, %eq3A : i32
      %jit3A_71 = arith.constant 1 : i32
      %select_n3A = arith.select %eq3A_70, %jit3A_71, %jit3A : i32
      %rem3A = arith.remsi %scan3A_68, %select_n3A : i32
      %ne3A = arith.constant 0 : i32
      %ne3A_72 = arith.cmpi ne, %rem3A, %ne3A : i32
      %lt3A = arith.constant 0 : i32
      %lt3A_73 = arith.cmpi slt, %rem3A, %lt3A : i32
      %lt3A_74 = arith.constant 0 : i32
      %lt3A_75 = arith.cmpi slt, %select_n3A, %lt3A_74 : i32
      %ne3A_76 = arith.xori %lt3A_73, %lt3A_75 : i1
      %and3A = arith.andi %ne3A_76, %ne3A_72 : i1
      %add3A_77 = arith.addi %rem3A, %select_n3A : i32
      %select_n3A_78 = arith.select %and3A, %add3A_77, %rem3A : i32
      %eq3A_79 = arith.constant 0 : i32
      %eq3A_80 = arith.cmpi eq, %select_n3A_78, %eq3A_79 : i32
      %convert_element_type3A = arith.extui %eq3A_80 : i1 to i32
      %cond3A = arith.constant 0 : i32
      %cond3A_81 = arith.cmpi ne, %convert_element_type3A, %cond3A : i32
      scf.if %cond3A_81 {
        %ge3A = arith.constant 1 : i32
        %ge3A_104 = arith.cmpi sge, %scan3A_68, %ge3A : i32
        %convert_element_type3A_105 = arith.extui %ge3A_104 : i1 to i32
        %cond3A_106 = arith.constant 0 : i32
        %cond3A_107 = arith.cmpi ne, %convert_element_type3A_105, %cond3A_106 : i32
        scf.if %cond3A_107 {
          %sub3A = arith.constant 1 : i32
          %sub3A_130 = arith.subi %scan3A_68, %sub3A : i32
          %mul3A_131 = arith.constant 80 : i32
          %mul3A_132 = arith.muli %sub3A_130, %mul3A_131 : i32
          %dma_wait3A_133 = tpu.memref_slice %arg7[%mul3A_132] : memref<10000xi32, #tpu.memory_space<vmem>> -> memref<80xi32, #tpu.memory_space<vmem>>
          %dma_wait3A_134 = arith.constant 0 : i32
          %dma_wait3A_135 = arith.constant 0 : i32
          %dma_wait3A_136 = tpu.memref_slice %arg12[%dma_wait3A_134, %dma_wait3A_135] : memref<10240x128xf32, #tpu.memory_space<vmem_shared>> -> memref<10240x128xf32, #tpu.memory_space<vmem_shared>>
          tpu.wait_indirect_dma semaphore(%arg17 : memref<!tpu.dma_semaphore, #tpu.memory_space<semaphore_mem>>) src(%arg9 : memref<80x128xf32, #tpu.memory_space<vmem>>) dst(%dma_wait3A_136 : memref<10240x128xf32, #tpu.memory_space<vmem_shared>>)
          %dma_wait3A_137 = tpu.memref_slice %arg7[%mul3A_132] : memref<10000xi32, #tpu.memory_space<vmem>> -> memref<80xi32, #tpu.memory_space<vmem>>
          %dma_wait3A_138 = arith.constant 0 : i32
          %dma_wait3A_139 = tpu.memref_slice %arg13[%dma_wait3A_138] : memref<10240xf32, #tpu.memory_space<vmem_shared>> -> memref<10240xf32, #tpu.memory_space<vmem_shared>>
          tpu.wait_indirect_dma semaphore(%arg17 : memref<!tpu.dma_semaphore, #tpu.memory_space<semaphore_mem>>) src(%arg10 : memref<80xf32, #tpu.memory_space<vmem>>) dst(%dma_wait3A_139 : memref<10240xf32, #tpu.memory_space<vmem_shared>>)
        } else {
        }
        %add3A_108 = arith.constant 1 : i32
        %add3A_109 = arith.addi %scan3A_68, %add3A_108 : i32
        %lt3A_110 = arith.constant 125 : i32
        %lt3A_111 = arith.cmpi slt, %add3A_109, %lt3A_110 : i32
        %convert_element_type3A_112 = arith.extui %lt3A_111 : i1 to i32
        %cond3A_113 = arith.constant 0 : i32
        %cond3A_114 = arith.cmpi ne, %convert_element_type3A_112, %cond3A_113 : i32
        scf.if %cond3A_114 {
          %add3A_130 = arith.constant 1 : i32
          %add3A_131 = arith.addi %scan3A_68, %add3A_130 : i32
          %mul3A_132 = arith.constant 80 : i32
          %mul3A_133 = arith.muli %add3A_131, %mul3A_132 : i32
          %dma_start3A_134 = tpu.memref_slice %arg6[%mul3A_133] : memref<10000xi32, #tpu.memory_space<vmem>> -> memref<80xi32, #tpu.memory_space<vmem>>
          %dma_start3A_135 = arith.constant 0 : i32
          %dma_start3A_136 = arith.constant 0 : i32
          %dma_start3A_137 = tpu.memref_slice %arg2[%dma_start3A_135, %dma_start3A_136] : memref<10000x128xf32, #tpu.memory_space<hbm>> -> memref<10000x128xf32, #tpu.memory_space<hbm>>
          tpu.enqueue_indirect_dma source(%dma_start3A_137 : memref<10000x128xf32, #tpu.memory_space<hbm>>) target(%arg9 : memref<80x128xf32, #tpu.memory_space<vmem>>) offsets(%dma_start3A_134 : memref<80xi32, #tpu.memory_space<vmem>>) semaphore(%arg15 : memref<!tpu.dma_semaphore, #tpu.memory_space<semaphore_mem>>)
        } else {
        }
        %mul3A_115 = arith.constant 80 : i32
        %mul3A_116 = arith.muli %scan3A_68, %mul3A_115 : i32
        %dma_wait3A_117 = tpu.memref_slice %arg6[%mul3A_116] : memref<10000xi32, #tpu.memory_space<vmem>> -> memref<80xi32, #tpu.memory_space<vmem>>
        %dma_wait3A_118 = arith.constant 0 : i32
        %dma_wait3A_119 = arith.constant 0 : i32
        %dma_wait3A_120 = tpu.memref_slice %arg2[%dma_wait3A_118, %dma_wait3A_119] : memref<10000x128xf32, #tpu.memory_space<hbm>> -> memref<10000x128xf32, #tpu.memory_space<hbm>>
        tpu.wait_indirect_dma semaphore(%arg14 : memref<!tpu.dma_semaphore, #tpu.memory_space<semaphore_mem>>) src(%dma_wait3A_120 : memref<10000x128xf32, #tpu.memory_space<hbm>>) dst(%arg8 : memref<80x128xf32, #tpu.memory_space<vmem>>)
        %mul3A_121 = arith.constant 80 : i32
        %mul3A_122 = arith.muli %scan3A_68, %mul3A_121 : i32
        %dma_start3A_123 = tpu.memref_slice %arg7[%mul3A_122] : memref<10000xi32, #tpu.memory_space<vmem>> -> memref<80xi32, #tpu.memory_space<vmem>>
        %dma_start3A_124 = arith.constant 0 : i32
        %dma_start3A_125 = arith.constant 0 : i32
        %dma_start3A_126 = tpu.memref_slice %arg12[%dma_start3A_124, %dma_start3A_125] : memref<10240x128xf32, #tpu.memory_space<vmem_shared>> -> memref<10240x128xf32, #tpu.memory_space<vmem_shared>>
        tpu.enqueue_indirect_dma source(%arg8 : memref<80x128xf32, #tpu.memory_space<vmem>>) target(%dma_start3A_126 : memref<10240x128xf32, #tpu.memory_space<vmem_shared>>) offsets(%dma_start3A_123 : memref<80xi32, #tpu.memory_space<vmem>>) semaphore(%arg16 : memref<!tpu.dma_semaphore, #tpu.memory_space<semaphore_mem>>) {add = true}
        %dma_start3A_127 = tpu.memref_slice %arg7[%mul3A_122] : memref<10000xi32, #tpu.memory_space<vmem>> -> memref<80xi32, #tpu.memory_space<vmem>>
        %dma_start3A_128 = arith.constant 0 : i32
        %dma_start3A_129 = tpu.memref_slice %arg13[%dma_start3A_128] : memref<10240xf32, #tpu.memory_space<vmem_shared>> -> memref<10240xf32, #tpu.memory_space<vmem_shared>>
        tpu.enqueue_indirect_dma source(%arg10 : memref<80xf32, #tpu.memory_space<vmem>>) target(%dma_start3A_129 : memref<10240xf32, #tpu.memory_space<vmem_shared>>) offsets(%dma_start3A_127 : memref<80xi32, #tpu.memory_space<vmem>>) semaphore(%arg16 : memref<!tpu.dma_semaphore, #tpu.memory_space<semaphore_mem>>) {add = true}
      } else {
      }
      %jit3A_82 = arith.constant 2 : i32
      %eq3A_83 = arith.constant 0 : i32
      %eq3A_84 = arith.cmpi eq, %jit3A_82, %eq3A_83 : i32
      %jit3A_85 = arith.constant 1 : i32
      %select_n3A_86 = arith.select %eq3A_84, %jit3A_85, %jit3A_82 : i32
      %rem3A_87 = arith.remsi %scan3A_68, %select_n3A_86 : i32
      %ne3A_88 = arith.constant 0 : i32
      %ne3A_89 = arith.cmpi ne, %rem3A_87, %ne3A_88 : i32
      %lt3A_90 = arith.constant 0 : i32
      %lt3A_91 = arith.cmpi slt, %rem3A_87, %lt3A_90 : i32
      %lt3A_92 = arith.constant 0 : i32
      %lt3A_93 = arith.cmpi slt, %select_n3A_86, %lt3A_92 : i32
      %ne3A_94 = arith.xori %lt3A_91, %lt3A_93 : i1
      %and3A_95 = arith.andi %ne3A_94, %ne3A_89 : i1
      %add3A_96 = arith.addi %rem3A_87, %select_n3A_86 : i32
      %select_n3A_97 = arith.select %and3A_95, %add3A_96, %rem3A_87 : i32
      %ne3A_98 = arith.constant 0 : i32
      %ne3A_99 = arith.cmpi ne, %select_n3A_97, %ne3A_98 : i32
      %convert_element_type3A_100 = arith.extui %ne3A_99 : i1 to i32
      %cond3A_101 = arith.constant 0 : i32
      %cond3A_102 = arith.cmpi ne, %convert_element_type3A_100, %cond3A_101 : i32
      scf.if %cond3A_102 {
        %ge3A = arith.constant 1 : i32
        %ge3A_104 = arith.cmpi sge, %scan3A_68, %ge3A : i32
        %convert_element_type3A_105 = arith.extui %ge3A_104 : i1 to i32
        %cond3A_106 = arith.constant 0 : i32
        %cond3A_107 = arith.cmpi ne, %convert_element_type3A_105, %cond3A_106 : i32
        scf.if %cond3A_107 {
          %sub3A = arith.constant 1 : i32
          %sub3A_130 = arith.subi %scan3A_68, %sub3A : i32
          %mul3A_131 = arith.constant 80 : i32
          %mul3A_132 = arith.muli %sub3A_130, %mul3A_131 : i32
          %dma_wait3A_133 = tpu.memref_slice %arg7[%mul3A_132] : memref<10000xi32, #tpu.memory_space<vmem>> -> memref<80xi32, #tpu.memory_space<vmem>>
          %dma_wait3A_134 = arith.constant 0 : i32
          %dma_wait3A_135 = arith.constant 0 : i32
          %dma_wait3A_136 = tpu.memref_slice %arg12[%dma_wait3A_134, %dma_wait3A_135] : memref<10240x128xf32, #tpu.memory_space<vmem_shared>> -> memref<10240x128xf32, #tpu.memory_space<vmem_shared>>
          tpu.wait_indirect_dma semaphore(%arg16 : memref<!tpu.dma_semaphore, #tpu.memory_space<semaphore_mem>>) src(%arg8 : memref<80x128xf32, #tpu.memory_space<vmem>>) dst(%dma_wait3A_136 : memref<10240x128xf32, #tpu.memory_space<vmem_shared>>)
          %dma_wait3A_137 = tpu.memref_slice %arg7[%mul3A_132] : memref<10000xi32, #tpu.memory_space<vmem>> -> memref<80xi32, #tpu.memory_space<vmem>>
          %dma_wait3A_138 = arith.constant 0 : i32
          %dma_wait3A_139 = tpu.memref_slice %arg13[%dma_wait3A_138] : memref<10240xf32, #tpu.memory_space<vmem_shared>> -> memref<10240xf32, #tpu.memory_space<vmem_shared>>
          tpu.wait_indirect_dma semaphore(%arg16 : memref<!tpu.dma_semaphore, #tpu.memory_space<semaphore_mem>>) src(%arg10 : memref<80xf32, #tpu.memory_space<vmem>>) dst(%dma_wait3A_139 : memref<10240xf32, #tpu.memory_space<vmem_shared>>)
        } else {
        }
        %add3A_108 = arith.constant 1 : i32
        %add3A_109 = arith.addi %scan3A_68, %add3A_108 : i32
        %lt3A_110 = arith.constant 125 : i32
        %lt3A_111 = arith.cmpi slt, %add3A_109, %lt3A_110 : i32
        %convert_element_type3A_112 = arith.extui %lt3A_111 : i1 to i32
        %cond3A_113 = arith.constant 0 : i32
        %cond3A_114 = arith.cmpi ne, %convert_element_type3A_112, %cond3A_113 : i32
        scf.if %cond3A_114 {
          %add3A_130 = arith.constant 1 : i32
          %add3A_131 = arith.addi %scan3A_68, %add3A_130 : i32
          %mul3A_132 = arith.constant 80 : i32
          %mul3A_133 = arith.muli %add3A_131, %mul3A_132 : i32
          %dma_start3A_134 = tpu.memref_slice %arg6[%mul3A_133] : memref<10000xi32, #tpu.memory_space<vmem>> -> memref<80xi32, #tpu.memory_space<vmem>>
          %dma_start3A_135 = arith.constant 0 : i32
          %dma_start3A_136 = arith.constant 0 : i32
          %dma_start3A_137 = tpu.memref_slice %arg2[%dma_start3A_135, %dma_start3A_136] : memref<10000x128xf32, #tpu.memory_space<hbm>> -> memref<10000x128xf32, #tpu.memory_space<hbm>>
          tpu.enqueue_indirect_dma source(%dma_start3A_137 : memref<10000x128xf32, #tpu.memory_space<hbm>>) target(%arg8 : memref<80x128xf32, #tpu.memory_space<vmem>>) offsets(%dma_start3A_134 : memref<80xi32, #tpu.memory_space<vmem>>) semaphore(%arg14 : memref<!tpu.dma_semaphore, #tpu.memory_space<semaphore_mem>>)
        } else {
        }
        %mul3A_115 = arith.constant 80 : i32
        %mul3A_116 = arith.muli %scan3A_68, %mul3A_115 : i32
        %dma_wait3A_117 = tpu.memref_slice %arg6[%mul3A_116] : memref<10000xi32, #tpu.memory_space<vmem>> -> memref<80xi32, #tpu.memory_space<vmem>>
        %dma_wait3A_118 = arith.constant 0 : i32
        %dma_wait3A_119 = arith.constant 0 : i32
        %dma_wait3A_120 = tpu.memref_slice %arg2[%dma_wait3A_118, %dma_wait3A_119] : memref<10000x128xf32, #tpu.memory_space<hbm>> -> memref<10000x128xf32, #tpu.memory_space<hbm>>
        tpu.wait_indirect_dma semaphore(%arg15 : memref<!tpu.dma_semaphore, #tpu.memory_space<semaphore_mem>>) src(%dma_wait3A_120 : memref<10000x128xf32, #tpu.memory_space<hbm>>) dst(%arg9 : memref<80x128xf32, #tpu.memory_space<vmem>>)
        %mul3A_121 = arith.constant 80 : i32
        %mul3A_122 = arith.muli %scan3A_68, %mul3A_121 : i32
        %dma_start3A_123 = tpu.memref_slice %arg7[%mul3A_122] : memref<10000xi32, #tpu.memory_space<vmem>> -> memref<80xi32, #tpu.memory_space<vmem>>
        %dma_start3A_124 = arith.constant 0 : i32
        %dma_start3A_125 = arith.constant 0 : i32
        %dma_start3A_126 = tpu.memref_slice %arg12[%dma_start3A_124, %dma_start3A_125] : memref<10240x128xf32, #tpu.memory_space<vmem_shared>> -> memref<10240x128xf32, #tpu.memory_space<vmem_shared>>
        tpu.enqueue_indirect_dma source(%arg9 : memref<80x128xf32, #tpu.memory_space<vmem>>) target(%dma_start3A_126 : memref<10240x128xf32, #tpu.memory_space<vmem_shared>>) offsets(%dma_start3A_123 : memref<80xi32, #tpu.memory_space<vmem>>) semaphore(%arg17 : memref<!tpu.dma_semaphore, #tpu.memory_space<semaphore_mem>>) {add = true}
        %dma_start3A_127 = tpu.memref_slice %arg7[%mul3A_122] : memref<10000xi32, #tpu.memory_space<vmem>> -> memref<80xi32, #tpu.memory_space<vmem>>
        %dma_start3A_128 = arith.constant 0 : i32
        %dma_start3A_129 = tpu.memref_slice %arg13[%dma_start3A_128] : memref<10240xf32, #tpu.memory_space<vmem_shared>> -> memref<10240xf32, #tpu.memory_space<vmem_shared>>
        tpu.enqueue_indirect_dma source(%arg10 : memref<80xf32, #tpu.memory_space<vmem>>) target(%dma_start3A_129 : memref<10240xf32, #tpu.memory_space<vmem_shared>>) offsets(%dma_start3A_127 : memref<80xi32, #tpu.memory_space<vmem>>) semaphore(%arg17 : memref<!tpu.dma_semaphore, #tpu.memory_space<semaphore_mem>>) {add = true}
      } else {
      }
      %scan3A_103 = arith.constant 0 : i32
      scf.yield %scan3A_103 : i32
    }
    %scan3A_58 = arith.constant 125 : i32
    %dma_wait3A = arith.constant 9920 : i32
    %dma_wait3A_59 = tpu.memref_slice %arg7[%dma_wait3A] : memref<10000xi32, #tpu.memory_space<vmem>> -> memref<80xi32, #tpu.memory_space<vmem>>
    %dma_wait3A_60 = arith.constant 0 : i32
    %dma_wait3A_61 = arith.constant 0 : i32
    %dma_wait3A_62 = tpu.memref_slice %arg12[%dma_wait3A_60, %dma_wait3A_61] : memref<10240x128xf32, #tpu.memory_space<vmem_shared>> -> memref<10240x128xf32, #tpu.memory_space<vmem_shared>>
    tpu.wait_indirect_dma semaphore(%arg16 : memref<!tpu.dma_semaphore, #tpu.memory_space<semaphore_mem>>) src(%arg8 : memref<80x128xf32, #tpu.memory_space<vmem>>) dst(%dma_wait3A_62 : memref<10240x128xf32, #tpu.memory_space<vmem_shared>>)
    %dma_wait3A_63 = arith.constant 9920 : i32
    %dma_wait3A_64 = tpu.memref_slice %arg7[%dma_wait3A_63] : memref<10000xi32, #tpu.memory_space<vmem>> -> memref<80xi32, #tpu.memory_space<vmem>>
    %dma_wait3A_65 = arith.constant 0 : i32
    %dma_wait3A_66 = tpu.memref_slice %arg13[%dma_wait3A_65] : memref<10240xf32, #tpu.memory_space<vmem_shared>> -> memref<10240xf32, #tpu.memory_space<vmem_shared>>
    tpu.wait_indirect_dma semaphore(%arg16 : memref<!tpu.dma_semaphore, #tpu.memory_space<semaphore_mem>>) src(%arg10 : memref<80xf32, #tpu.memory_space<vmem>>) dst(%dma_wait3A_66 : memref<10240xf32, #tpu.memory_space<vmem_shared>>)
    %barrier3A_67 = arith.constant 0 : index
    tpu.barrier barrier_id(%barrier3A_67)
    "tpu.region"() ({
      %run_scoped3A = tpu.sem_alloc : memref<!tpu.dma_semaphore, #tpu.memory_space<semaphore_mem>>
      %dma_start3A_68 = arith.constant 0 : i32
      %dma_start3A_69 = tpu.memref_slice %arg4[%arg0, %mul3A_25, %dma_start3A_68] : memref<2x10240x128xf32, #tpu.memory_space<hbm>> -> memref<1x640x128xf32, #tpu.memory_space<hbm>>
      %dma_start3A_70 = tpu.memref_squeeze %dma_start3A_69 : memref<1x640x128xf32, #tpu.memory_space<hbm>> -> memref<640x128xf32, #tpu.memory_space<hbm>>
      %dma_start3A_71 = arith.constant 0 : i32
      %dma_start3A_72 = tpu.memref_slice %arg12[%mul3A_25, %dma_start3A_71] : memref<10240x128xf32, #tpu.memory_space<vmem_shared>> -> memref<640x128xf32, #tpu.memory_space<vmem_shared>>
      tpu.enqueue_dma source(%dma_start3A_72 : memref<640x128xf32, #tpu.memory_space<vmem_shared>>) target(%dma_start3A_70 : memref<640x128xf32, #tpu.memory_space<hbm>>) target_semaphore(%run_scoped3A : memref<!tpu.dma_semaphore, #tpu.memory_space<semaphore_mem>>)
      %dma_wait3A_73 = arith.constant 0 : i32
      %dma_wait3A_74 = tpu.memref_slice %arg4[%arg0, %mul3A_25, %dma_wait3A_73] : memref<2x10240x128xf32, #tpu.memory_space<hbm>> -> memref<1x640x128xf32, #tpu.memory_space<hbm>>
      %dma_wait3A_75 = tpu.memref_squeeze %dma_wait3A_74 : memref<1x640x128xf32, #tpu.memory_space<hbm>> -> memref<640x128xf32, #tpu.memory_space<hbm>>
      %dma_wait3A_76 = arith.constant 0 : i32
      %dma_wait3A_77 = tpu.memref_slice %arg12[%mul3A_25, %dma_wait3A_76] : memref<10240x128xf32, #tpu.memory_space<vmem_shared>> -> memref<640x128xf32, #tpu.memory_space<vmem_shared>>
      tpu.wait_dma2 semaphore(%run_scoped3A : memref<!tpu.dma_semaphore, #tpu.memory_space<semaphore_mem>>) src(%dma_wait3A_77 : memref<640x128xf32, #tpu.memory_space<vmem_shared>>) dst(%dma_wait3A_75 : memref<640x128xf32, #tpu.memory_space<hbm>>)
      tpu.yield
    }) : () -> ()
    "tpu.region"() ({
      %run_scoped3A = tpu.sem_alloc : memref<!tpu.dma_semaphore, #tpu.memory_space<semaphore_mem>>
      %dma_start3A_68 = tpu.memref_slice %arg5[%arg0, %mul3A_25] : memref<2x10240xf32, #tpu.memory_space<hbm>> -> memref<1x640xf32, #tpu.memory_space<hbm>>
      %dma_start3A_69 = tpu.memref_squeeze %dma_start3A_68 : memref<1x640xf32, #tpu.memory_space<hbm>> -> memref<640xf32, #tpu.memory_space<hbm>>
      %dma_start3A_70 = tpu.memref_slice %arg13[%mul3A_25] : memref<10240xf32, #tpu.memory_space<vmem_shared>> -> memref<640xf32, #tpu.memory_space<vmem_shared>>
      tpu.enqueue_dma source(%dma_start3A_70 : memref<640xf32, #tpu.memory_space<vmem_shared>>) target(%dma_start3A_69 : memref<640xf32, #tpu.memory_space<hbm>>) target_semaphore(%run_scoped3A : memref<!tpu.dma_semaphore, #tpu.memory_space<semaphore_mem>>)
      %dma_wait3A_71 = tpu.memref_slice %arg5[%arg0, %mul3A_25] : memref<2x10240xf32, #tpu.memory_space<hbm>> -> memref<1x640xf32, #tpu.memory_space<hbm>>
      %dma_wait3A_72 = tpu.memref_squeeze %dma_wait3A_71 : memref<1x640xf32, #tpu.memory_space<hbm>> -> memref<640xf32, #tpu.memory_space<hbm>>
      %dma_wait3A_73 = tpu.memref_slice %arg13[%mul3A_25] : memref<10240xf32, #tpu.memory_space<vmem_shared>> -> memref<640xf32, #tpu.memory_space<vmem_shared>>
      tpu.wait_dma2 semaphore(%run_scoped3A : memref<!tpu.dma_semaphore, #tpu.memory_space<semaphore_mem>>) src(%dma_wait3A_73 : memref<640xf32, #tpu.memory_space<vmem_shared>>) dst(%dma_wait3A_72 : memref<640xf32, #tpu.memory_space<hbm>>)
      tpu.yield
    }) : () -> ()
    return
  }
}

module attributes {stable_mosaic.version = 14 : i64} {
  func.func @body(%arg0: i32, %arg1: memref<2x2000x128xf32, #tpu.memory_space<vmem>>, %arg2: memref<2000x2xf32, #tpu.memory_space<vmem>>, %arg3: memref<2000x128xf32, #tpu.memory_space<vmem>>, %arg4: memref<128x128xf32, #tpu.memory_space<vmem>>, %arg5: memref<1x128xf32, #tpu.memory_space<vmem>>, %arg6: memref<128x128xf32, #tpu.memory_space<vmem>>, %arg7: memref<2000x128xf32, #tpu.memory_space<vmem>>) attributes {dimension_semantics = [#tpu.dimension_semantics<arbitrary>], iteration_bounds = array<i64: 5>, scalar_prefetch = 0 : i64, scratch_operands = 0 : i64, tpu.core_type = #tpu.core_type<tc>, window_params = [{transform_indices = @transform_0, window_bounds = array<i64: 2, 2000, 128>}, {transform_indices = @transform_1, window_bounds = array<i64: 2000, 2>}, {transform_indices = @transform_2, window_bounds = array<i64: 2000, 128>}, {pipeline_mode = #tpu.pipeline_mode<synchronous>, transform_indices = @transform_3, window_bounds = array<i64: 128, 128>}, {pipeline_mode = #tpu.pipeline_mode<synchronous>, transform_indices = @transform_4, window_bounds = array<i64: 1, 128>}, {pipeline_mode = #tpu.pipeline_mode<synchronous>, transform_indices = @transform_5, window_bounds = array<i64: 128, 128>}, {transform_indices = @transform_6, window_bounds = array<i64: 2000, 128>}]} {
    %get3A = arith.constant 0 : index
    %get3A_0 = arith.constant 0 : index
    %get3A_1 = arith.constant 0 : index
    %get3A_2 = vector.load %arg1[%get3A, %get3A_0, %get3A_1] : memref<2x2000x128xf32, #tpu.memory_space<vmem>>, vector<1x2000x128xf32>
    %get3A_3 = vector.shape_cast %get3A_2 : vector<1x2000x128xf32> to vector<2000x128xf32>
    %get3A_4 = arith.constant 1 : index
    %get3A_5 = arith.constant 0 : index
    %get3A_6 = arith.constant 0 : index
    %get3A_7 = vector.load %arg1[%get3A_4, %get3A_5, %get3A_6] : memref<2x2000x128xf32, #tpu.memory_space<vmem>>, vector<1x2000x128xf32>
    %get3A_8 = vector.shape_cast %get3A_7 : vector<1x2000x128xf32> to vector<2000x128xf32>
    %add3A = arith.addf %get3A_3, %get3A_8 : vector<2000x128xf32>
    %get3A_9 = arith.constant 0 : index
    %get3A_10 = arith.constant 0 : index
    %get3A_11 = vector.load %arg2[%get3A_9, %get3A_10] : memref<2000x2xf32, #tpu.memory_space<vmem>>, vector<2000x1xf32>
    %get3A_12 = vector.shape_cast %get3A_11 : vector<2000x1xf32> to vector<2000xf32>
    %get3A_13 = arith.constant 0 : index
    %get3A_14 = arith.constant 1 : index
    %get3A_15 = vector.load %arg2[%get3A_13, %get3A_14] : memref<2000x2xf32, #tpu.memory_space<vmem>>, vector<2000x1xf32>
    %get3A_16 = vector.shape_cast %get3A_15 : vector<2000x1xf32> to vector<2000xf32>
    %add3A_17 = arith.addf %get3A_12, %get3A_16 : vector<2000xf32>
    %max3A = arith.constant 1.000000e+00 : f32
    %max3A_18 = vector.broadcast %max3A : f32 to vector<2000xf32>
    %max3A_19 = arith.maximumf %add3A_17, %max3A_18 : vector<2000xf32>
    %div3A = arith.constant 1.000000e+00 : f32
    %div3A_20 = vector.broadcast %div3A : f32 to vector<2000xf32>
    %div3A_21 = arith.divf %div3A_20, %max3A_19 : vector<2000xf32>
    %broadcast_in_dim3A = vector.shape_cast %div3A_21 : vector<2000xf32> to vector<2000x1xf32>
    %mul3A = vector.broadcast %broadcast_in_dim3A : vector<2000x1xf32> to vector<2000x128xf32>
    %mul3A_22 = arith.mulf %add3A, %mul3A : vector<2000x128xf32>
    %get3A_23 = arith.constant 0 : index
    %get3A_24 = arith.constant 0 : index
    %get3A_25 = vector.load %arg4[%get3A_23, %get3A_24] : memref<128x128xf32, #tpu.memory_space<vmem>>, vector<128x128xf32>
    %dot_general3A = arith.constant dense<0.000000e+00> : vector<2000x128xf32>
    %dot_general3A_26 = tpu.matmul %mul3A_22, %get3A_25, %dot_general3A {dimension_numbers = #tpu.dot_dimension_numbers<[1], [0], [0], [1], [0, 0, 1, 1], [], []>, transpose_lhs_hint = false} : vector<2000x128xf32>, vector<128x128xf32>, vector<2000x128xf32> -> vector<2000x128xf32>
    %get3A_27 = arith.constant 0 : index
    %get3A_28 = arith.constant 0 : index
    %get3A_29 = vector.load %arg3[%get3A_27, %get3A_28] : memref<2000x128xf32, #tpu.memory_space<vmem>>, vector<2000x128xf32>
    %get3A_30 = arith.constant 0 : index
    %get3A_31 = arith.constant 0 : index
    %get3A_32 = vector.load %arg6[%get3A_30, %get3A_31] : memref<128x128xf32, #tpu.memory_space<vmem>>, vector<128x128xf32>
    %dot_general3A_33 = arith.constant dense<0.000000e+00> : vector<2000x128xf32>
    %dot_general3A_34 = tpu.matmul %get3A_29, %get3A_32, %dot_general3A_33 {dimension_numbers = #tpu.dot_dimension_numbers<[1], [0], [0], [1], [0, 0, 1, 1], [], []>, transpose_lhs_hint = false} : vector<2000x128xf32>, vector<128x128xf32>, vector<2000x128xf32> -> vector<2000x128xf32>
    %add3A_35 = arith.addf %dot_general3A_26, %dot_general3A_34 : vector<2000x128xf32>
    %get3A_36 = arith.constant 0 : index
    %get3A_37 = arith.constant 0 : index
    %get3A_38 = vector.load %arg5[%get3A_36, %get3A_37] : memref<1x128xf32, #tpu.memory_space<vmem>>, vector<1x128xf32>
    %add3A_39 = vector.broadcast %get3A_38 : vector<1x128xf32> to vector<2000x128xf32>
    %add3A_40 = arith.addf %add3A_35, %add3A_39 : vector<2000x128xf32>
    %swap3A = arith.constant 0 : index
    %swap3A_41 = arith.constant 0 : index
    %swap3A_42 = vector.load %arg7[%swap3A, %swap3A_41] : memref<2000x128xf32, #tpu.memory_space<vmem>>, vector<2000x128xf32>
    tpu.vector_store %arg7[%swap3A, %swap3A_41], %add3A_40 {strides = array<i32>} : memref<2000x128xf32, #tpu.memory_space<vmem>>, vector<2000x128xf32>,
    return
  }
  func.func @transform_0(%arg0: i32) -> (i32, i32, i32) {
    %c0_i32 = arith.constant 0 : i32
    %c0_i32_0 = arith.constant 0 : i32
    %c0_i32_1 = arith.constant 0 : i32
    return %c0_i32, %arg0, %c0_i32_0 : i32, i32, i32
  }
  func.func @transform_1(%arg0: i32) -> (i32, i32) {
    %c0_i32 = arith.constant 0 : i32
    %c0_i32_0 = arith.constant 0 : i32
    return %arg0, %c0_i32 : i32, i32
  }
  func.func @transform_2(%arg0: i32) -> (i32, i32) {
    %c0_i32 = arith.constant 0 : i32
    %c0_i32_0 = arith.constant 0 : i32
    return %arg0, %c0_i32 : i32, i32
  }
  func.func @transform_3(%arg0: i32) -> (i32, i32) {
    %c0_i32 = arith.constant 0 : i32
    %c0_i32_0 = arith.constant 0 : i32
    %c0_i32_1 = arith.constant 0 : i32
    return %c0_i32, %c0_i32_0 : i32, i32
  }
  func.func @transform_4(%arg0: i32) -> (i32, i32) {
    %c0_i32 = arith.constant 0 : i32
    %c0_i32_0 = arith.constant 0 : i32
    %c0_i32_1 = arith.constant 0 : i32
    return %c0_i32, %c0_i32_0 : i32, i32
  }
  func.func @transform_5(%arg0: i32) -> (i32, i32) {
    %c0_i32 = arith.constant 0 : i32
    %c0_i32_0 = arith.constant 0 : i32
    %c0_i32_1 = arith.constant 0 : i32
    return %c0_i32, %c0_i32_0 : i32, i32
  }
  func.func @transform_6(%arg0: i32) -> (i32, i32) {
    %c0_i32 = arith.constant 0 : i32
    %c0_i32_0 = arith.constant 0 : i32
    return %arg0, %c0_i32 : i32, i32
  }
}

</mosaic_0001>

<sc_bundles>
// kernel: kernel.4.cloned.1.call-start
scs
__scs_entry_jumppad:
0x0: {  	(pc) =	sbr.rel $0x88, $3  }
0x1: {  	(tag) =	ssettag $0x0;
	lr =	simm.s32 $0x1  }
0x2: {  	[smem:$0x3F9C] =	sst lr;
	_ =	strace $0xD0000000  }
0x3: {  	_ = 	snop  }
0x4: {  	_ = 	snop  }
0x5: {  	_ = 	snop  }
0x6: {  	_ = 	snop  }
0x7: {  	_ = 	snop  }
__scs_overlays_trampoline_lowered:
0x8: {  	[smem:$0x3FAB] =	sst s0  }
0x9: {  	[smem:$0x3FAC] =	sst s1  }
0xa: {  	[smem:$0x3FAD] =	sst s2  }
0xb: {  	[smem:$0x3FAE] =	sst s3  }
0xc: {  	[smem:$0x3FAF] =	sst s4  }
0xd: {  	[smem:$0x3FB0] =	sst s5  }
0xe: {  	[smem:$0x3FB1] =	sst s6  }
0xf: {  	[smem:$0x3FB2] =	sst s7  }
0x10: {  	[smem:$0x3FB3] =	sst s8  }
0x11: {  	[smem:$0x3FB4] =	sst s9;
	s0 =	simm.s32 @!p0 $0x0  }
0x12: {  	s1 =	sld [smem:$0x3F9A];
	s0 =	simm.s32 @p0 $0x1  }
0x13: {  	[smem:$0x3FB5] =	sst s0;
	s0 =	simm.s32 @!p1 $0x0  }
0x14: {  	s2 =	sld [smem:$0x3F99];
	s0 =	simm.s32 @p1 $0x1  }
0x15: {  	[smem:$0x3FB6] =	sst s0;
	s0 =	simm.s32 @!p2 $0x0  }
0x16: {  	s3 =	sld [smem:$0x3FDB];
	s0 =	simm.s32 @p2 $0x1  }
0x17: {  	s4 =	simm.s32 $0x1BF5;
	[smem:$0x3FB8] =	sst s0  }
0x18: {  	s0 =	sld [smem:$0x3F9B];
	_ =	swait.ge [sflag:s4], $0x0  }
0x19: {  	s7 =	sld [smem:$0x3F9C]  }
0x1a: {  	s8 =	sadd.s32 $0xFFFFE003, lr  }
0x1b: {  	s9 =	sadd.s32 $0xFFFFFEF7, lr;
	s5 =	simm.s32 $0xFFFFFFFF;
	p2 =	slt.u32 s8, $0xFFFFF086  }
0x1c: {  	p1 =	slt.u32 s9, $0xF7A;
	s5 =	simm.s32 @!p2 $0x0  }
0x1d: {  	s5 =	simm.s32 @p1 $0x1;
	p0 =	seq.s32 s7, s2  }
0x1e: {  	s7 =	smul.u32 @!p0 $0xF7A, s2;
	p2 =	seq.s32 @!p0 s5, $0x0  }
0x1f: {  	s9 =	smul.u32 $0xF7A, s1;
	s8 =	simm.s32 @!p0 $0x1BF5;
	p2 =	por !p2, p0  }
0x20: {  	[sflag:s8] =	ssyncset.s32 @!p0 $0xFFFFF086;
	s6 =	sadd.s32 @!p0 s3, s7;
	s7 =	simm.s32 @!p0 $0x108  }
0x21: {  	s3 =	sadd.s32 s3, s9;
	s6 =	sadd.s32 @!p0 $0x88, s6;
	s7 =	simm.s32 @p2 $0x1082  }
0x22: {  	[simem:s7], [sflag:s8] =	dma.local @!p0 [hbm:s6], $0xF7A  }
0x23: {  	s9 =	sor.u32 $0xD0000000, s2;
	s6 =	simm.s32 $0x108;
	_ =	swait.ge @!p0 [sflag:s8], $0x0  }
0x24: {  	s3 =	sadd.s32 $0x88, s3;
	s6 =	simm.s32 @!p1 $0x1082;
	[sflag:s4] =	ssyncset.s32 $0xFFFFF086  }
0x25: {  	[simem:s6], [sflag:s4] =	dma.local [hbm:s3], $0xF7A  }
0x26: {  	[smem:$0x3F9C] =	sst s1;
	(tag) =	ssettag s2;
	_ =	strace s9  }
0x27: {  	s1 =	sld [smem:$0x3FAC]  }
0x28: {  	s2 =	sld [smem:$0x3FAD]  }
0x29: {  	s4 =	sld [smem:$0x3FAF]  }
0x2a: {  	p0 =	seq.s32 s5, $0x0;
	s5 =	sld [smem:$0x3FB0]  }
0x2b: {  	s6 =	sld [smem:$0x3FB1]  }
0x2c: {  	s7 =	sld [smem:$0x3FB2]  }
0x2d: {  	s3 =	simm.s32 $0x108;
	s8 =	sld [smem:$0x3FB3]  }
0x2e: {  	s3 =	simm.s32 @!p0 $0x1082;
	s9 =	sld [smem:$0x3FB4]  }
0x2f: {  	lr =	sadd.s32 s0, s3;
	s0 =	sld [smem:$0x3FAB]  }
0x30: {  	s3 =	sld [smem:$0x3FAE]  }
0x31: {  	[smem:$0x3FB7] =	sst s10  }
0x32: {  	s10 =	sld [smem:$0x3FB5];
	_ =	sdelay $0x3  }
0x33: {  	p0 =	seq.s32 s10, $0x1;
	s10 =	sld [smem:$0x3FB7];
	_ =	sdelay $0x3  }
0x34: {  	[smem:$0x3FB7] =	sst s10  }
0x35: {  	s10 =	sld [smem:$0x3FB6];
	_ =	sdelay $0x3  }
0x36: {  	p1 =	seq.s32 s10, $0x1;
	s10 =	sld [smem:$0x3FB7];
	_ =	sdelay $0x3  }
0x37: {  	[smem:$0x3FB7] =	sst s10  }
0x38: {  	s10 =	sld [smem:$0x3FB8]  }
0x39: {  	_ = 	snop;
	(pc) =	sbr.ind lr, $3  }
0x3a: {  	_ = 	snop  }
0x3b: {  	_ = 	snop  }
0x3c: {  	p2 =	seq.s32 s10, $0x1;
	s10 =	sld [smem:$0x3FB7]  }
0x3d: {  	_ =	shalt  }
0x3e: {  	_ =	shalt  }
0x3f: {  	_ =	shalt  }
0x40: {  	_ =	shalt  }
0x41: {  	_ =	shalt  }
0x42: {  	_ =	shalt  }
0x43: {  	_ =	shalt  }
0x44: {  	_ =	shalt  }
0x45: {  	_ =	shalt  }
0x46: {  	_ =	shalt  }
0x47: {  	_ =	shalt  }
0x48: {  	_ =	shalt  }
0x49: {  	_ =	shalt  }
0x4a: {  	_ =	shalt  }
0x4b: {  	_ =	shalt  }
0x4c: {  	_ =	shalt  }
0x4d: {  	_ =	shalt  }
0x4e: {  	_ =	shalt  }
0x4f: {  	_ =	shalt  }
0x50: {  	_ =	shalt  }
0x51: {  	_ =	shalt  }
0x52: {  	_ =	shalt  }
0x53: {  	_ =	shalt  }
0x54: {  	_ =	shalt  }
0x55: {  	_ =	shalt  }
0x56: {  	_ =	shalt  }
0x57: {  	_ =	shalt  }
0x58: {  	_ =	shalt  }
0x59: {  	_ =	shalt  }
0x5a: {  	_ =	shalt  }
0x5b: {  	_ =	shalt  }
0x5c: {  	_ =	shalt  }
0x5d: {  	_ =	shalt  }
0x5e: {  	_ =	shalt  }
0x5f: {  	_ =	shalt  }
0x60: {  	_ =	shalt  }
0x61: {  	_ =	shalt  }
0x62: {  	_ =	shalt  }
0x63: {  	_ =	shalt  }
0x64: {  	_ =	shalt  }
0x65: {  	_ =	shalt  }
0x66: {  	_ =	shalt  }
0x67: {  	_ =	shalt  }
0x68: {  	_ =	shalt  }
0x69: {  	_ =	shalt  }
0x6a: {  	_ =	shalt  }
0x6b: {  	_ =	shalt  }
0x6c: {  	_ =	shalt  }
0x6d: {  	_ =	shalt  }
0x6e: {  	_ =	shalt  }
0x6f: {  	_ =	shalt  }
0x70: {  	_ =	shalt  }
0x71: {  	_ =	shalt  }
0x72: {  	_ =	shalt  }
0x73: {  	_ =	shalt  }
0x74: {  	_ =	shalt  }
0x75: {  	_ =	shalt  }
0x76: {  	_ =	shalt  }
0x77: {  	_ =	shalt  }
0x78: {  	_ =	shalt  }
0x79: {  	_ =	shalt  }
0x7a: {  	_ =	shalt  }
0x7b: {  	_ =	shalt  }
0x7c: {  	_ =	shalt  }
0x7d: {  	_ =	shalt  }
0x7e: {  	_ =	shalt  }
0x7f: {  	_ =	shalt  }
0x80: {  	_ =	shalt  }
0x81: {  	_ =	shalt  }
0x82: {  	_ =	shalt  }
0x83: {  	_ =	shalt  }
0x84: {  	_ =	shalt  }
0x85: {  	_ =	shalt  }
0x86: {  	_ =	shalt  }
0x87: {  	_ =	shalt  }
.Lfunc_end0:
.L_simem_size_0:
called_computation_lowered:
.L_overlay_start_0:
0x88: {  	s2 =	sld [smem:$0x3FD9]  }
0x89: {  	s3 =	sld [smem:$0x3FFE];
	_ =	sdelay $0x1  }
0x8a: {  	s1 =	srdreg.scid  }
0x8b: {  	s0 =	sand.u32 $0x1, s1  }
0x8c: {  	s17 =	sshll.u32 s0, $0xA;
	s2 =	sadd.s32 s3, s2  }
0x8d: {  	s2 =	sadd.s32 s2, s17  }
0x8e: {  	[smem:$0x3FC3] =	sst s2  }
0x8f: {  	_ = 	snop  }
0x90: {  	s2 =	sld [smem:$0x3FC9]  }
0x91: {  	s18 =	sld [smem:$0x3FD0];
	(tm) =	ssettm $0x1  }
0x92: {  	s4 =	sld [smem:$0x3FFB];
	_ =	sdelay $0x3  }
0x93: {  	_ =	strace s4  }
0x94: {  	s4 =	sld [smem:$0x3FFC];
	_ =	sdelay $0x3  }
0x95: {  	_ =	strace s4  }
0x96: {  	s4 =	sld [smem:$0x3FFD];
	_ =	sdelay $0x3  }
0x97: {  	_ =	strace s4  }
0x98: {  	_ =	strace $0x8FFFFFFF  }
0x99: {  	s19 =	sld [smem:$0x3FDB];
	_ =	sdelay $0x1  }
0x9a: {  	s5 =	simm.s32 $_scs_section_size  }
0x9b: {  	s6 =	simm.s32 $_size__tile_overlayer_lowered;
	s7 =	simm.s32 $_tile_overlayer_lowered  }
0x9c: {  	s22 =	simm.s32 $0x1BFF;
	s21 =	sshll.u32 s7, $0x1;
	s4 =	sadd.s32 s5, s19  }
0x9d: {  	s8 =	simm.s32 $0x0;
	s20 =	sshll.u32 s6, $0x1;
	s6 =	sadd.s32 s21, s4  }
0x9e: {  	[timem:s8], [sflag:s22] =	dma.local [hbm:s6], s20  }
0x9f: {  	_ =	swait.ge [sflag:s22], s20  }
0xa0: {  	s5 =	ssub.s32 $0x0, s20;
	[sflag:s22] =	ssyncset.done $0x0  }
0xa1: {  	[sflag:s22] =	ssyncadd.s32 s5;
	_ =	sdelay $0x1  }
0xa2: {  	s23 =	simm.s32 $0x1B8B  }
0xa3: {  	_ =	swait.ge [sflag:s23], $0x1  }
0xa4: {  	[sflag:s23] =	ssyncset.done $0x0  }
0xa5: {  	s25 =	simm.s32 $0x1B8E;
	s24 =	sld [smem:$0x3FFE];
	[sflag:s23] =	ssyncadd.s32 $0xFFFFFFFF  }
0xa6: {  	s26 =	simm.s32 $execute0_lowered;
	[smem:$0x3FD2] =	sst s25  }
0xa7: {  	s6 =	sshll.u32 s26, $0x1;
	_ =	strace $0x80000046;
	[dreg:$0x1] =	wrdreg $0xFFFFFFFF  }
0xa8: {  	s28 =	simm.s32 $_size_execute0_lowered;
	s4 =	sadd.s32 s4, s6;
	[dreg:$0x0] =	wrdreg $0x0  }
0xa9: {  	s6 =	sshll.u32 s28, $0x1;
	[dreg:$0x2] =	wrdreg s4  }
0xaa: {  	[dreg:$0x3] =	wrdreg s6  }
0xab: {  	[dreg:$0x4] =	wrdreg $0xC0  }
0xac: {  	_ =	task [dreg:s8], $0x5FFFF  }
0xad: {  	[dreg:$0x1] =	wrdreg $0xFFFFFFFF  }
0xae: {  	[dreg:$0x0] =	wrdreg $0x60  }
0xaf: {  	[dreg:$0x2] =	wrdreg s2  }
0xb0: {  	[dreg:$0x3] =	wrdreg s18  }
0xb1: {  	[dreg:$0x4] =	wrdreg s24  }
0xb2: {  	[dreg:$0x5] =	wrdreg $0xA2000  }
0xb3: {  	[dreg:$0x6] =	wrdreg $0x1E2000  }
0xb4: {  	[dreg:$0x7] =	wrdreg $0x9  }
0xb5: {  	_ =	task.clear_ibuf [dreg:s8], $0x8FFFF;
	_ =	strace $0x90000046  }
0xb6: {  	s29 =	simm.s32 $0x9;
	_ =	strace $0x80000048  }
0xb7: {  	_ =	swait.ge [sflag:s29], $0x1  }
0xb8: {  	[sflag:s29] =	ssyncadd.s32 $0xFFFFFFFF  }
0xb9: {  	_ =	strace $0x90000048  }
0xba: {  	_ =	sfence  }
0xbb: {  	s30 =	sld [smem:$0x0];
	_ =	sdelay $0x2  }
0xbc: {  	s31 =	sshll.u32 s1, $0xD;
	s1 =	sshrl.u32 s1, $0x2  }
0xbd: {  	s3 =	sand.u32 $0x4000, s31;
	s1 =	sadd.s32 s1, s30  }
0xbe: {  	s0 =	sor.u32 s3, s0;
	s1 =	sshll.u32 s1, $0x11  }
0xbf: {  	s0 =	sor.u32 s1, s0  }
0xc0: {  	s0 =	sadd.s32 $0x8F2B, s0  }
0xc1: {  	[sflag:s0] =	ssyncadd.remote.s32 $0x1  }
0xc2: {  	_ =	sfence.sel $0xFFFF  }
0xc3: {  	[dreg:$0x0] =	wrdreg $0xFFFFFFFF;
	(pc) =	sbr.abs _section_cstart, $3  }
0xc4: {  	[dreg:$0x1] =	wrdreg $0xFFFFFFFF  }
0xc5: {  	_ =	task.clear_ibuf [dreg:s8], $0x2FFFF;
	_ =	strace $0x9FFFFFFF  }
0xc6: {  	(tm) =	ssettm $0x7FFFFFFF  }
0xc7: {  	_ =	shalt  }
tec
execute0_lowered:
.L_overlay_start_1:
0x0: {  	(tag) =	ssettag $0x1  }
0x1: {  	s0 =	rddreg [dreg:$0x0]  }
0x2: {  	s1 =	rddreg [dreg:$0x1]  }
0x3: {  	s2 =	rddreg [dreg:$0x2];
	s11 =	stileid.u32  }
0x4: {  	s4 =	srdreg.scid;
	s8 =	smul.u32 $0x14000, s11  }
0x5: {  	s3 =	rddreg [dreg:$0x3];
	s5 =	simm.s32 $0x0;
	s9 =	smul.u32 $0x500, s11  }
0x6: {  	s28 =	simm.s32 $0x4;
	s29 =	simm.s32 $0x1;
	s19 =	smul.u32 $0x50000, s11  }
0x7: {  	s6 =	sand.u32 $0x1, s4;
	s4 =	rddreg [dreg:$0x4];
	s14 =	smul.u32 $0xA00, s11  }
0x8: {  	s30 =	simm.s32 $0x3;
	[smem:$0x7FF] =	sst s5;
	s7 =	smul.u32 $0x140000, s6  }
0x9: {  	s10 =	sshll.u32 s6, $0x7;
	_ =	strace $0x80000047;
	s20 =	ssub.s32 $0x2, s6  }
0xa: {  	s6 =	sshll.u32 s6, $0x4;
	s18 =	sor.u32 s10, s9;
	s21 =	sshrl.u32 s20, $0x1  }
0xb: {  	s9 =	sshrl.u32 s19, $0x2;
	s22 =	sor.u32 s11, s6;
	s15 =	sshrl.u32 s14, $0x2  }
0xc: {  	s7 =	sadd.s32 s8, s7;
	s8 =	sshrl.u32 s18, $0x3;
	s6 =	sadd.s32 s9, s3  }
0xd: {  	s24 =	smul.u32 $0x2710, s22;
	s15 =	sadd.s32 s15, s4;
	s22 =	simm.s32 $0x0  }
0xe: {  	s7 =	sshrl.u32 s7, $0x3;
	s9 =	sadd.s32 $0x2800, s6;
	s23 =	sadd.s32 $0x5000, s6  }
0xf: {  	s25 =	sadd.s32 $0x7800, s6;
	s26 =	sadd.s32 $0xA000, s6;
	[dreg:$0x6] =	wrdreg s9  }
0x10: {  	s31 =	sadd.s32 $0xC800, s6;
	s12 =	sadd.s32 $0xF000, s6;
	[dreg:$0x7] =	wrdreg s23  }
0x11: {  	s13 =	sadd.s32 $0x11800, s6;
	s7 =	sadd.s32 s7, s2;
	[dreg:$0x8] =	wrdreg s25  }
0x12: {  	s2 =	sadd.s32 s8, s2;
	s8 =	ssub.s32 s20, s21;
	[dreg:$0x9] =	wrdreg s26  }
0x13: {  	[dreg:$0xa] =	wrdreg s31;
	s9 =	sshrl.u32 s24, $0x3;
	s20 =	simm.s32 $0x4F00  }
0x14: {  	s21 =	simm.s32 $0x5;
	s23 =	simm.s32 $0x2780;
	s24 =	simm.s32 $0x50  }
0x15: {  	s26 =	simm.s32 $0x9F00;
	s14 =	sadd.s32 s1, s9;
	s17 =	sadd.s32 $0x2200, s7  }
0x16: {  	v0 =	vimm.f32 $0.0e+00;
	v1 =	vimm.f32 $1.000000000e+00;
	s18 =	sadd.s32 $0x1800, s2;
	s19 =	smax.u32 s8, $0x1;
	s16 =	sadd.s32 $0x9C40, s14  }
.LBB2_1:
0x17: {  	s1 =	sand.u32 $0xFE00, s5  }
0x18: {  	s2 =	sand.u32 $0x70, s5;
	s7 =	sshrl.u32 s1, $0x2  }
0x19: {  	s1 =	simm.s32 $0x40;
	s7 =	sor.u32 s2, s7;
	s2 =	simm.s32 $0x0  }
.LBB2_2:
0x1a: {  	p0 =	sne.s32 s1, $0x9FC0  }
0x1b: {  	[tilespmem:s7+$0x4F00] =	vst v0;
	s2 =	sadd.s32 $0x10, s2;
	s7 =	smov.u32 s1;
	s1 =	sadd.s32 $0x40, s1  }
.Ltmp0:
0x1c: {  	(pc) =	sbr.rel @p0 .LBB2_2-.Ltmp0, $4  }
0x1d: {  	_ = 	snop  }
0x1e: {  	s7 =	sand.u32 $0xFE00, s7  }
0x1f: {  	s8 =	sand.u32 $0x70, s2;
	s7 =	sshrl.u32 s7, $0x2  }
0x20: {  	s7 =	sor.u32 s8, s7  }
0x21: {  	[tilespmem:s7+$0x4F00] =	vst v0  }
0x22: {  	[tilespmem:$0x9F00] =	vst v1  }
0x23: {  	[tilespmem:$0x9F10] =	vst v1  }
0x24: {  	[tilespmem:$0x9F20] =	vst v1  }
0x25: {  	[tilespmem:$0x9F30] =	vst v1  }
0x26: {  	[tilespmem:$0x9F40] =	vst v1  }
0x27: {  	[tilespmem:$0x9F80] =	vst v0  }
0x28: {  	[tilespmem:$0x9F90] =	vst v0  }
0x29: {  	[tilespmem:$0x9FA0] =	vst v0  }
0x2a: {  	[tilespmem:$0x9FB0] =	vst v0  }
0x2b: {  	[tilespmem:$0x9FC0] =	vst v0  }
0x2c: {  	[tilespmem:$0x9FD0] =	vst v0  }
0x2d: {  	[tilespmem:$0x9FE0] =	vst v0  }
0x2e: {  	[tilespmem:$0x9FF0] =	vst v0  }
0x2f: {  	[tilespmem:$0xA000] =	vst v0  }
0x30: {  	[tilespmem:$0xA010] =	vst v0  }
0x31: {  	[tilespmem:$0xA020] =	vst v0  }
0x32: {  	[tilespmem:$0xA030] =	vst v0  }
0x33: {  	[tilespmem:$0xA040] =	vst v0  }
0x34: {  	[tilespmem:$0xA050] =	vst v0  }
0x35: {  	[tilespmem:$0xA060] =	vst v0  }
0x36: {  	[tilespmem:$0xA070] =	vst v0  }
0x37: {  	[tilespmem:$0xA080] =	vst v0  }
0x38: {  	[tilespmem:$0xA090] =	vst v0  }
0x39: {  	[tilespmem:$0xA0A0] =	vst v0  }
0x3a: {  	[tilespmem:$0xA0B0] =	vst v0  }
0x3b: {  	[tilespmem:$0xA0C0] =	vst v0  }
0x3c: {  	[tilespmem:$0xA0D0] =	vst v0  }
0x3d: {  	[tilespmem:$0xA0E0] =	vst v0  }
0x3e: {  	[tilespmem:$0xA0F0] =	vst v0  }
0x3f: {  	[tilespmem:$0xA100] =	vst v0  }
0x40: {  	[tilespmem:$0xA110] =	vst v0  }
0x41: {  	[tilespmem:$0xA120] =	vst v0  }
0x42: {  	[tilespmem:$0xA130] =	vst v0  }
0x43: {  	[tilespmem:$0xA140] =	vst v0  }
0x44: {  	[tilespmem:$0xA150] =	vst v0  }
0x45: {  	[tilespmem:$0xA160] =	vst v0  }
0x46: {  	[tilespmem:$0xA170] =	vst v0  }
0x47: {  	[tilespmem:$0xA180] =	vst v0  }
0x48: {  	[tilespmem:$0xA190] =	vst v0  }
0x49: {  	[tilespmem:$0xA1A0] =	vst v0  }
0x4a: {  	[tilespmem:$0xA1B0] =	vst v0  }
0x4b: {  	[tilespmem:$0xA1C0] =	vst v0  }
0x4c: {  	[tilespmem:$0xA1D0] =	vst v0  }
0x4d: {  	[tilespmem:$0xA1E0] =	vst v0  }
0x4e: {  	[tilespmem:$0xA1F0] =	vst v0  }
0x4f: {  	[spmem:s6] =	stream.linear.scatter [tilespmem:s20], [sflag:$0x5], $0x2800, $0x38;
	[tilespmem:$0x1E480] =	vst v63  }
0x50: {  	_ =	swait.ge [sflag:s21], $0x2800  }
0x51: {  	[sflag:s21] =	ssyncset.done $0x0  }
0x52: {  	s1 =	rddreg [dreg:$0x6];
	[sflag:s21] =	ssyncadd.s32 $0xFFFFD800  }
0x53: {  	[spmem:s1] =	stream.linear.scatter [tilespmem:s20], [sflag:$0x5], $0x2800, $0x38;
	[tilespmem:$0x1E480] =	vst v63  }
0x54: {  	_ =	swait.ge [sflag:s21], $0x2800  }
0x55: {  	[sflag:s21] =	ssyncset.done $0x0  }
0x56: {  	s11 =	rddreg [dreg:$0x7];
	[sflag:s21] =	ssyncadd.s32 $0xFFFFD800  }
0x57: {  	[spmem:s11] =	stream.linear.scatter [tilespmem:s20], [sflag:$0x5], $0x2800, $0x38;
	[tilespmem:$0x1E480] =	vst v63  }
0x58: {  	_ =	swait.ge [sflag:s21], $0x2800  }
0x59: {  	[sflag:s21] =	ssyncset.done $0x0  }
0x5a: {  	s25 =	rddreg [dreg:$0x8];
	[sflag:s21] =	ssyncadd.s32 $0xFFFFD800  }
0x5b: {  	[spmem:s25] =	stream.linear.scatter [tilespmem:s20], [sflag:$0x5], $0x2800, $0x38;
	[tilespmem:$0x1E480] =	vst v63  }
0x5c: {  	_ =	swait.ge [sflag:s21], $0x2800  }
0x5d: {  	[sflag:s21] =	ssyncset.done $0x0  }
0x5e: {  	s2 =	rddreg [dreg:$0x9];
	[sflag:s21] =	ssyncadd.s32 $0xFFFFD800  }
0x5f: {  	[spmem:s2] =	stream.linear.scatter [tilespmem:s20], [sflag:$0x5], $0x2800, $0x38;
	[tilespmem:$0x1E480] =	vst v63  }
0x60: {  	_ =	swait.ge [sflag:s21], $0x2800  }
0x61: {  	[sflag:s21] =	ssyncset.done $0x0  }
0x62: {  	s7 =	rddreg [dreg:$0xa];
	[sflag:s21] =	ssyncadd.s32 $0xFFFFD800  }
0x63: {  	[spmem:s7] =	stream.linear.scatter [tilespmem:s20], [sflag:$0x5], $0x2800, $0x38;
	[tilespmem:$0x1E480] =	vst v63  }
0x64: {  	_ =	swait.ge [sflag:s21], $0x2800  }
0x65: {  	[sflag:s21] =	ssyncset.done $0x0  }
0x66: {  	[sflag:s21] =	ssyncadd.s32 $0xFFFFD800  }
0x67: {  	[spmem:s12] =	stream.linear.scatter [tilespmem:s20], [sflag:$0x5], $0x2800, $0x38;
	[tilespmem:$0x1E480] =	vst v63  }
0x68: {  	_ =	swait.ge [sflag:s21], $0x2800  }
0x69: {  	[sflag:s21] =	ssyncset.done $0x0  }
0x6a: {  	[sflag:s21] =	ssyncadd.s32 $0xFFFFD800  }
0x6b: {  	[spmem:s13] =	stream.linear.scatter [tilespmem:s20], [sflag:$0x5], $0x2800, $0x38;
	[tilespmem:$0x1E480] =	vst v63  }
0x6c: {  	_ =	swait.ge [sflag:s21], $0x2800  }
0x6d: {  	[sflag:s21] =	ssyncset.done $0x0  }
0x6e: {  	s8 =	simm.s32 $0x9F80;
	[sflag:s21] =	ssyncadd.s32 $0xFFFFD800  }
0x6f: {  	[spmem:s15] =	stream.linear.scatter [tilespmem:s8], [sflag:$0x5], $0x280, $0x38;
	[tilespmem:$0x1E480] =	vst v63  }
0x70: {  	_ =	swait.ge [sflag:s21], $0x280  }
0x71: {  	[sflag:s21] =	ssyncset.done $0x0  }
0x72: {  	[sflag:s21] =	ssyncadd.s32 $0xFFFFFD80  }
0x73: {  	[tilespmem:s5], [sflag:$0x5] =	stream.linear.gather [hbm4b:s14+s5], $0x2710, $0x38;
	[tilespmem:$0x1E480] =	vst v63  }
0x74: {  	_ =	swait.ge [sflag:s21], $0x2710  }
0x75: {  	[sflag:s21] =	ssyncset.done $0x0  }
0x76: {  	[sflag:s21] =	ssyncadd.s32 $0xFFFFD8F0  }
0x77: {  	[tilespmem:s23], [sflag:$0x5] =	stream.linear.gather [hbm4b:s16+s5], $0x2710, $0x38;
	[tilespmem:$0x1E480] =	vst v63  }
0x78: {  	_ =	swait.ge [sflag:s21], $0x2710  }
0x79: {  	[sflag:s21] =	ssyncset.done $0x0  }
0x7a: {  	[sflag:s21] =	ssyncadd.s32 $0xFFFFD8F0  }
0x7b: {  	[bflag:$0x0] =	sbarrier.arrive $0xFFFF  }
0x7c: {  	[tilespmem:s20], [sflag:$0x1] =	stream.indirect.gather [hbm4b:s0+s24], $0x80, s5, s24, $0xb8;
	[tilespmem:$0x1E480] =	vst v63  }
0x7d: {  	s9 =	simm.s32 $0x7700;
	s10 =	simm.s32 $0x1  }
0x7e: {  	[tilespmem:s9], [sflag:$0x2] =	stream.indirect.gather [hbm4b:s0+s24], $0x80, s24, s24, $0xb8;
	[tilespmem:$0x1E480] =	vst v63  }
0x7f: {  	_ =	swait.ge [sflag:s10], $0x2800  }
0x80: {  	s1 =	sand.u32 $0x1, s10;
	[sflag:s10] =	ssyncset.done $0x0  }
0x81: {  	p1 =	seq.s32 s1, $0x1;
	[sflag:s10] =	ssyncadd.s32 $0xFFFFD800  }
0x82: {  	[spmem:s3] =	stream.indirect.scatter.add.f32 [tilespmem:s20], [sflag:$0x3], $0x80, s23, s24, $0xb8;
	[tilespmem:$0x1E480] =	vst v63  }
0x83: {  	s1 =	simm.s32 @p1 $0x3  }
0x84: {  	[spmem:s4] =	stream.indirect.scatter.add.f32 [tilespmem:s26], [sflag:$0x3], $0x1, s23, s24, $0xb8;
	[tilespmem:$0x1E480] =	vst v63  }
0x85: {  	_ =	swait.ge @p1 [sflag:s1], $0x2800  }
0x86: {  	p0 =	por p1, p1;
	[sflag:s1] =	ssyncset.done @p1 $0x0  }
0x87: {  	[sflag:s1] =	ssyncadd.s32 @p0 $0xFFFFD800  }
0x88: {  	_ =	swait.ge @p0 [sflag:s1], $0x50  }
0x89: {  	s2 =	simm.s32 $0xA0;
	s7 =	simm.s32 @p0 $0x2;
	[sflag:s1] =	ssyncset.done @p0 $0x0  }
0x8a: {  	s8 =	simm.s32 @p0 $0x4F00;
	[sflag:s1] =	ssyncadd.s32 @p0 $0xFFFFFFB0;
	s1 =	simm.s32 @p0 $0x50  }
0x8b: {  	[tilespmem:s8], [sflag:$0x1] =	stream.indirect.gather @p0 [hbm4b:s0+s1], $0x80, s2, s1, $0xb8;
	[tilespmem:$0x1E480] =	vst v63  }
0x8c: {  	_ =	swait.ge @p0 [sflag:s7], $0x2800  }
0x8d: {  	[sflag:s7] =	ssyncset.done @p0 $0x0  }
0x8e: {  	s25 =	simm.s32 $0x27D0;
	[sflag:s7] =	ssyncadd.s32 @p0 $0xFFFFD800;
	s7 =	simm.s32 @p0 $0x7700  }
0x8f: {  	[spmem:s3] =	stream.indirect.scatter.add.f32 @p0 [tilespmem:s7], [sflag:$0x4], $0x80, s25, s1, $0xb8;
	[tilespmem:$0x1E480] =	vst v63  }
0x90: {  	s8 =	simm.s32 @!p0 $0x4;
	s7 =	simm.s32 @p0 $0x9F00  }
0x91: {  	[spmem:s4] =	stream.indirect.scatter.add.f32 @p0 [tilespmem:s7], [sflag:$0x4], $0x1, s25, s1, $0xb8;
	[tilespmem:$0x1E480] =	vst v63  }
0x92: {  	_ =	swait.ge @!p0 [sflag:s8], $0x2800  }
0x93: {  	[sflag:s8] =	ssyncset.done @!p0 $0x0  }
0x94: {  	[sflag:s8] =	ssyncadd.s32 @!p0 $0xFFFFD800  }
0x95: {  	_ =	swait.ge @!p0 [sflag:s8], $0x50  }
0x96: {  	s9 =	simm.s32 @!p0 $0x50;
	[sflag:s8] =	ssyncset.done @!p0 $0x0  }
0x97: {  	s1 =	simm.s32 @!p0 $0x1;
	s7 =	simm.s32 @!p0 $0x7700;
	[sflag:s8] =	ssyncadd.s32 @!p0 $0xFFFFFFB0  }
0x98: {  	[tilespmem:s7], [sflag:$0x2] =	stream.indirect.gather @!p0 [hbm4b:s0+s9], $0x80, s2, s9, $0xb8;
	[tilespmem:$0x1E480] =	vst v63  }
0x99: {  	_ =	swait.ge @!p0 [sflag:s1], $0x2800  }
0x9a: {  	s31 =	simm.s32 $0xF0;
	s11 =	simm.s32 $0x2;
	[sflag:s1] =	ssyncset.done @!p0 $0x0  }
0x9b: {  	s8 =	sand.u32 $0x1, s11;
	[sflag:s1] =	ssyncadd.s32 @!p0 $0xFFFFD800;
	s1 =	simm.s32 @!p0 $0x4F00  }
0x9c: {  	[spmem:s3] =	stream.indirect.scatter.add.f32 @!p0 [tilespmem:s1], [sflag:$0x3], $0x80, s25, s9, $0xb8;
	[tilespmem:$0x1E480] =	vst v63  }
0x9d: {  	s2 =	simm.s32 @!p1 $0x9F00;
	s7 =	simm.s32 $0x27D0;
	s1 =	simm.s32 $0x3  }
.LBB2_4:
0x9e: {  	p2 =	seq.s32 s8, $0x1  }
0x9f: {  	s25 =	sadd.s32 $0x50, s25;
	s8 =	smov.u32 s1;
	s1 =	sadd.s32 $0x1, s1  }
0xa0: {  	p1 =	sne.s32 s1, $0x7C;
	s10 =	simm.s32 @p2 $0x3;
	s11 =	simm.s32 @!p2 $0x9F00  }
0xa1: {  	[spmem:s4] =	stream.indirect.scatter.add.f32 @!p0 [tilespmem:s2], [sflag:$0x3], $0x1, s7, s9, $0xb8;
	[tilespmem:$0x1E480] =	vst v63  }
0xa2: {  	s7 =	smov.u32 s25;
	s2 =	smov.u32 s11;
	_ =	swait.ge @p2 [sflag:s10], $0x2800  }
0xa3: {  	p0 =	por p2, p2;
	[sflag:s10] =	ssyncset.done @p2 $0x0  }
0xa4: {  	[sflag:s10] =	ssyncadd.s32 @p0 $0xFFFFD800  }
0xa5: {  	_ =	swait.ge @p0 [sflag:s10], $0x50  }
0xa6: {  	s9 =	simm.s32 @p0 $0x2;
	[sflag:s10] =	ssyncset.done @p0 $0x0  }
0xa7: {  	s11 =	simm.s32 @p0 $0x4F00;
	[sflag:s10] =	ssyncadd.s32 @p0 $0xFFFFFFB0;
	s10 =	simm.s32 @p0 $0x50  }
0xa8: {  	[tilespmem:s11], [sflag:$0x1] =	stream.indirect.gather @p0 [hbm4b:s0+s10], $0x80, s31, s10, $0xb8;
	[tilespmem:$0x1E480] =	vst v63  }
0xa9: {  	_ =	swait.ge @p0 [sflag:s9], $0x2800  }
0xaa: {  	[sflag:s9] =	ssyncset.done @p0 $0x0  }
0xab: {  	[sflag:s9] =	ssyncadd.s32 @p0 $0xFFFFD800;
	s9 =	simm.s32 @p0 $0x7700  }
0xac: {  	[spmem:s3] =	stream.indirect.scatter.add.f32 @p0 [tilespmem:s9], [sflag:$0x4], $0x80, s25, s10, $0xb8;
	[tilespmem:$0x1E480] =	vst v63  }
0xad: {  	s11 =	simm.s32 @!p0 $0x4;
	s9 =	simm.s32 @p0 $0x9F00  }
0xae: {  	[spmem:s4] =	stream.indirect.scatter.add.f32 @p0 [tilespmem:s9], [sflag:$0x4], $0x1, s25, s10, $0xb8;
	[tilespmem:$0x1E480] =	vst v63  }
0xaf: {  	_ =	swait.ge @!p0 [sflag:s11], $0x2800  }
0xb0: {  	[sflag:s11] =	ssyncset.done @!p0 $0x0  }
0xb1: {  	[sflag:s11] =	ssyncadd.s32 @!p0 $0xFFFFD800  }
0xb2: {  	_ =	swait.ge @!p0 [sflag:s11], $0x50  }
0xb3: {  	s10 =	simm.s32 @!p0 $0x1;
	[sflag:s11] =	ssyncset.done @!p0 $0x0  }
0xb4: {  	s9 =	simm.s32 @!p0 $0x50;
	[sflag:s11] =	ssyncadd.s32 @!p0 $0xFFFFFFB0;
	s11 =	simm.s32 @!p0 $0x7700  }
0xb5: {  	[tilespmem:s11], [sflag:$0x2] =	stream.indirect.gather @!p0 [hbm4b:s0+s9], $0x80, s31, s9, $0xb8;
	[tilespmem:$0x1E480] =	vst v63  }
.Ltmp1:
0xb6: {  	_ = 	snop;
	(pc) =	sbr.rel @p1 .LBB2_4-.Ltmp1, $4  }
0xb7: {  	_ =	swait.ge @!p0 [sflag:s10], $0x2800  }
0xb8: {  	s31 =	sadd.s32 $0x50, s31;
	[sflag:s10] =	ssyncset.done @!p0 $0x0  }
0xb9: {  	s8 =	sand.u32 $0x1, s8;
	[sflag:s10] =	ssyncadd.s32 @!p0 $0xFFFFD800;
	s10 =	simm.s32 @!p0 $0x4F00  }
0xba: {  	[spmem:s3] =	stream.indirect.scatter.add.f32 @!p0 [tilespmem:s10], [sflag:$0x3], $0x80, s25, s9, $0xb8;
	[tilespmem:$0x1E480] =	vst v63  }
0xbb: {  	p1 =	seq.s32 s8, $0x1  }
0xbc: {  	[spmem:s4] =	stream.indirect.scatter.add.f32 @!p0 [tilespmem:s2], [sflag:$0x3], $0x1, s7, s9, $0xb8;
	[tilespmem:$0x1E480] =	vst v63  }
0xbd: {  	s1 =	simm.s32 @p1 $0x3  }
0xbe: {  	_ =	swait.ge @p1 [sflag:s1], $0x2800  }
0xbf: {  	p0 =	por p1, p1;
	[sflag:s1] =	ssyncset.done @p1 $0x0  }
0xc0: {  	[sflag:s1] =	ssyncadd.s32 @p0 $0xFFFFD800  }
0xc1: {  	_ =	swait.ge @p0 [sflag:s1], $0x50  }
0xc2: {  	s2 =	simm.s32 @p0 $0x2;
	[sflag:s1] =	ssyncset.done @p0 $0x0  }
0xc3: {  	s7 =	simm.s32 @p0 $0x4F00;
	[sflag:s1] =	ssyncadd.s32 @p0 $0xFFFFFFB0;
	s1 =	simm.s32 @p0 $0x50  }
0xc4: {  	[tilespmem:s7], [sflag:$0x1] =	stream.indirect.gather @p0 [hbm4b:s0+s1], $0x80, s31, s1, $0xb8;
	[tilespmem:$0x1E480] =	vst v63  }
0xc5: {  	_ =	swait.ge @p0 [sflag:s2], $0x2800  }
0xc6: {  	[sflag:s2] =	ssyncset.done @p0 $0x0  }
0xc7: {  	s7 =	sadd.s32 $0x50, s25;
	[sflag:s2] =	ssyncadd.s32 @p0 $0xFFFFD800;
	s2 =	simm.s32 @p0 $0x7700  }
0xc8: {  	[spmem:s3] =	stream.indirect.scatter.add.f32 @p0 [tilespmem:s2], [sflag:$0x4], $0x80, s7, s1, $0xb8;
	[tilespmem:$0x1E480] =	vst v63  }
0xc9: {  	s8 =	simm.s32 @!p0 $0x4;
	s2 =	simm.s32 @p0 $0x9F00  }
0xca: {  	[spmem:s4] =	stream.indirect.scatter.add.f32 @p0 [tilespmem:s2], [sflag:$0x4], $0x1, s7, s1, $0xb8;
	[tilespmem:$0x1E480] =	vst v63  }
0xcb: {  	_ =	swait.ge @!p0 [sflag:s8], $0x2800  }
0xcc: {  	[sflag:s8] =	ssyncset.done @!p0 $0x0  }
0xcd: {  	[sflag:s8] =	ssyncadd.s32 @!p0 $0xFFFFD800  }
0xce: {  	_ =	swait.ge @!p0 [sflag:s8], $0x50  }
0xcf: {  	s1 =	simm.s32 @!p0 $0x1;
	[sflag:s8] =	ssyncset.done @!p0 $0x0  }
0xd0: {  	s2 =	simm.s32 @!p0 $0x50;
	[sflag:s8] =	ssyncadd.s32 @!p0 $0xFFFFFFB0;
	s8 =	simm.s32 @!p0 $0x7700  }
0xd1: {  	[tilespmem:s8], [sflag:$0x2] =	stream.indirect.gather @!p0 [hbm4b:s0+s2], $0x80, s31, s2, $0xb8;
	[tilespmem:$0x1E480] =	vst v63  }
0xd2: {  	_ =	swait.ge @!p0 [sflag:s1], $0x2800  }
0xd3: {  	[sflag:s1] =	ssyncset.done @!p0 $0x0  }
0xd4: {  	[sflag:s1] =	ssyncadd.s32 @!p0 $0xFFFFD800;
	s1 =	simm.s32 @!p0 $0x4F00  }
0xd5: {  	[spmem:s3] =	stream.indirect.scatter.add.f32 @!p0 [tilespmem:s1], [sflag:$0x3], $0x80, s7, s2, $0xb8;
	[tilespmem:$0x1E480] =	vst v63  }
0xd6: {  	s1 =	simm.s32 @!p1 $0x9F00  }
0xd7: {  	[spmem:s4] =	stream.indirect.scatter.add.f32 @!p0 [tilespmem:s1], [sflag:$0x3], $0x1, s7, s2, $0xb8;
	[tilespmem:$0x1E480] =	vst v63  }
0xd8: {  	_ =	swait.ge [sflag:s28], $0x2800  }
0xd9: {  	[sflag:s28] =	ssyncset.done $0x0  }
0xda: {  	[sflag:s28] =	ssyncadd.s32 $0xFFFFD800  }
0xdb: {  	_ =	swait.ge [sflag:s28], $0x50  }
0xdc: {  	[sflag:s28] =	ssyncset.done $0x0  }
0xdd: {  	[sflag:s28] =	ssyncadd.s32 $0xFFFFFFB0  }
0xde: {  	_ =	swait.ge [sflag:s29], $0x2800  }
0xdf: {  	[sflag:s29] =	ssyncset.done $0x0  }
0xe0: {  	s8 =	sadd.s32 $0x50, s7;
	[sflag:s29] =	ssyncadd.s32 $0xFFFFD800  }
0xe1: {  	[spmem:s3] =	stream.indirect.scatter.add.f32 [tilespmem:s20], [sflag:$0x3], $0x80, s8, s24, $0xb8;
	[tilespmem:$0x1E480] =	vst v63  }
0xe2: {  	_ = 	snop  }
0xe3: {  	[spmem:s4] =	stream.indirect.scatter.add.f32 [tilespmem:s26], [sflag:$0x3], $0x1, s8, s24, $0xb8;
	[tilespmem:$0x1E480] =	vst v63  }
0xe4: {  	_ =	swait.ge [sflag:s30], $0x2800  }
0xe5: {  	[sflag:s30] =	ssyncset.done $0x0  }
0xe6: {  	[sflag:s30] =	ssyncadd.s32 $0xFFFFD800  }
0xe7: {  	_ =	swait.ge [sflag:s30], $0x50  }
0xe8: {  	s9 =	stileid.u32;
	[sflag:s30] =	ssyncset.done $0x0  }
0xe9: {  	s1 =	sshll.u32 s9, $0x6;
	[sflag:s30] =	ssyncadd.s32 $0xFFFFFFB0  }
0xea: {  	s10 =	sshrl.u32 s6, $0x3;
	s1 =	sor.u32 $0x1C05, s1;
	[bflag:$0x0] =	sbarrier.arrive $0xFFFF  }
0xeb: {  	[hbm:s17], [sflag:s1] =	dma.local [spmem:s10], $0x2800  }
0xec: {  	s11 =	sshrl.u32 s15, $0x3;
	s22 =	sadd.s32 $0x1, s22;
	_ =	swait.ge [sflag:s21], $0x2800  }
0xed: {  	s25 =	simm.s32 $0x20;
	p0 =	sne.s32 s22, s19;
	[sflag:s21] =	ssyncset.done $0x0  }
.Ltmp2:
0xee: {  	s31 =	simm.s32 $0x10;
	[sflag:s21] =	ssyncadd.s32 $0xFFFFD800;
	(pc) =	sbr.rel @p0 .LBB2_1-.Ltmp2, $4  }
0xef: {  	[hbm:s18@s25], [sflag:s1] =	dma.strided [spmem:s11@s31], $0x50, s29, $0x10   }
0xf0: {  	_ =	swait.ge [sflag:s21], $0x50  }
0xf1: {  	[sflag:s21] =	ssyncset.done $0x0  }
0xf2: {  	[sflag:s21] =	ssyncadd.s32 $0xFFFFFFB0  }
0xf3: {  	_ =	sfence.sel $0x180000  }
0xf4: {  	[bflag:$0x0] =	sbarrier.arrive $0xFFFF  }
0xf5: {  	_ =	strace $0x90000047  }
0xf6: {  	s0 =	stileid.u32;
	[bflag:$0x2] =	sbarrier.arrive $0xFFFF  }
0xf7: {  	p0 =	sne.s32 s0, $0x0;
	s0 =	rddreg [dreg:$0x5]  }
0xf8: {  	s0 =	sadd.s32 @!p0 $0x100000, s0  }
0xf9: {  	[sflag:s0] =	ssyncadd.tile.s32 @!p0 $0x1;
	_ =	shalt  }
.Lfunc_end2:
_tile_overlayer_lowered:
.L_overlay_start_2:
0xfa: {  	(tag) =	ssettag $0x2  }
0xfb: {  	s0 =	rddreg [dreg:$0x0];
	s2 =	stileid.u32  }
0xfc: {  	s1 =	rddreg [dreg:$0x1];
	p0 =	sne.s32 s2, $0x0  }
0xfd: {  	s3 =	rddreg [dreg:$0x2];
	[bflag:$0x3] =	sbarrier.arrive $0xFFFF;
	s2 =	simm.s32 @!p0 $0x1C05  }
0xfe: {  	[timem:s3], [sflag:s2] =	dma.local @!p0 [hbm:s0], s1  }
0xff: {  	s0 =	simm.s32 @!p0 $0x5  }
0x100: {  	_ =	swait.ge @!p0 [sflag:s0], s1  }
0x101: {  	s1 =	ssub.s32 @!p0 $0x0, s1;
	[sflag:s0] =	ssyncset.done @!p0 $0x0  }
0x102: {  	[sflag:s0] =	ssyncadd.s32 @!p0 s1  }
0x103: {  	[bflag:$0x3] =	sbarrier.arrive $0xFFFF  }
0x104: {  	_ =	shalt  }

</sc_bundles>
